<compile_context>
chip_gen: v7x
topology: tpu7x:2x2x1
jax: 0.10.2.dev20260603
libtpu: 0.0.44.dev20260713+nightly
codegen_flags: <defaults>
</compile_context>

<pallas_src>
import functools

import jax
import jax.numpy as jnp
from jax import lax
from jax.experimental import pallas as pl
from jax.experimental.pallas import tpu as pltpu
from jax.experimental.pallas import tpu_sc as plsc

_MAXI = 2147483647


def _sc_gather_rows(table_s, table_e, exk):
    info = plsc.get_sparse_core_info()
    nw = info.num_cores * info.num_subcores
    kt = exk.shape[0]
    b_per_w = kt // nw
    lmax = table_s.shape[1]
    mesh = plsc.VectorSubcoreMesh(core_axis_name="c", subcore_axis_name="s")

    @functools.partial(
        pl.kernel, mesh=mesh,
        out_type=[jax.ShapeDtypeStruct((kt, lmax), jnp.float32),
                  jax.ShapeDtypeStruct((kt, lmax), jnp.float32)],
        scratch_types=[pltpu.VMEM((b_per_w,), jnp.int32),
                       pltpu.VMEM((b_per_w, lmax), jnp.float32),
                       pltpu.SemaphoreType.DMA],
    )
    def k(ts_hbm, te_hbm, idx_hbm, outs_hbm, oute_hbm, idx_v, rows_v, sem):
        wid = jax.lax.axis_index("s") * info.num_cores + jax.lax.axis_index("c")
        base = wid * b_per_w
        pltpu.sync_copy(idx_hbm.at[pl.ds(base, b_per_w)], idx_v)
        pltpu.async_copy(ts_hbm.at[idx_v], rows_v, sem).wait()
        pltpu.sync_copy(rows_v, outs_hbm.at[pl.ds(base, b_per_w)])
        pltpu.async_copy(te_hbm.at[idx_v], rows_v, sem).wait()
        pltpu.sync_copy(rows_v, oute_hbm.at[pl.ds(base, b_per_w)])

    return k(table_s, table_e, exk)

_DOT = functools.partial(
    lax.dot_general,
    dimension_numbers=(((1,), (0,)), ((), ())),
    precision=lax.Precision.HIGHEST,
    preferred_element_type=jnp.float32,
)



def _ptab_body(tgs_ref, tge_ref, big_ref, *, L):
    def tab(ref, o):
        x = ref[:, :L] * 0.5
        mx = jnp.max(x, axis=1, keepdims=True)
        z = jnp.exp(x - mx)
        p = z / jnp.sum(z, axis=1, keepdims=True)
        hi = p.astype(jnp.bfloat16)
        r1 = p - hi.astype(jnp.float32)
        mid = r1.astype(jnp.bfloat16)
        lo = (r1 - mid.astype(jnp.float32)).astype(jnp.bfloat16)
        big_ref[0, 0, :, o:o + L] = hi
        big_ref[0, 1, :, o:o + L] = mid
        big_ref[0, 2, :, o:o + L] = lo
    tab(tgs_ref, 0)
    tab(tge_ref, L)


def _logq(ref):
    x = ref[...] * 0.5
    mx = jnp.max(x, axis=1, keepdims=True)
    sh = x - mx
    return sh - jnp.log(jnp.sum(jnp.exp(sh), axis=1, keepdims=True))


def _main_body(w0_ref, aug_ref, stu_s_ref, stu_e_ref, r_ref, rk_ref,
               biglo_ref, bighi_ref,
               segv_ref, sega_ref, segr_ref, *, R, TB, L):
    i = pl.program_id(0)

    @pl.when(i == 0)
    def _init():
        segv_ref[...] = jnp.full(segv_ref.shape, -jnp.inf, jnp.float32)
        sega_ref[...] = jnp.full(sega_ref.shape, _MAXI, jnp.int32)
        segr_ref[...] = jnp.zeros(segr_ref.shape, jnp.int32)

    w0 = w0_ref[i]
    rel = r_ref[0] - w0 * TB
    lq_s = _logq(stu_s_ref)
    lq_e = _logq(stu_e_ref)

    colw = lax.broadcasted_iota(jnp.int32, (R, TB), 1)
    oh_lo_b = rel == colw
    oh_hi_b = (rel - TB) == colw

    def copy3(ohb, tab_ref):
        oh = ohb.astype(jnp.bfloat16)
        oh3 = jnp.concatenate([oh, oh, oh], axis=1)
        w = tab_ref[0].reshape(3 * TB, tab_ref.shape[-1])
        return lax.dot_general(
            oh3, w, dimension_numbers=(((1,), (0,)), ((), ())),
            preferred_element_type=jnp.float32)
    g = copy3(oh_lo_b, biglo_ref) + copy3(oh_hi_b, bighi_ref)
    gp_s = g[:, :L]
    gp_e = g[:, L:2 * L]
    glp_s = jnp.log(gp_s)
    glp_e = jnp.log(gp_e)

    kl_s = jnp.sum(gp_s * (glp_s - lq_s), axis=1, keepdims=True)
    kl_e = jnp.sum(gp_e * (glp_e - lq_e), axis=1, keepdims=True)
    d = (kl_s + kl_e) * 0.5 * aug_ref[0]

    gid = i * R + lax.broadcasted_iota(jnp.int32, (R, 1), 0)
    rk = rk_ref[0]

    def winhalf(ohb):
        vals = jnp.where(ohb, d, -jnp.inf)
        wmax = jnp.max(vals, axis=0, keepdims=True)
        cand = jnp.where(ohb & (vals == wmax), gid, _MAXI)
        warg = jnp.min(cand, axis=0, keepdims=True)
        wrank = jnp.sum(jnp.where(gid == warg, rk, 0), axis=0, keepdims=True)
        return wmax, warg, wrank

    lo_v, lo_a, lo_r = winhalf(oh_lo_b)
    hi_v, hi_a, hi_r = winhalf(oh_hi_b)

    ri = lax.broadcasted_iota(jnp.int32, segv_ref.shape, 0)
    in_lo = ri == w0
    in_hi = ri == w0 + 1
    wv = jnp.where(in_lo, lo_v, jnp.where(in_hi, hi_v, -jnp.inf))
    wa = jnp.where(in_lo, lo_a, jnp.where(in_hi, hi_a, _MAXI))
    wr = jnp.where(in_lo, lo_r, jnp.where(in_hi, hi_r, 0))

    oldv = segv_ref[...]
    upd = wv > oldv
    segv_ref[...] = jnp.where(upd, wv, oldv)
    sega_ref[...] = jnp.where(upd, wa, sega_ref[...])
    segr_ref[...] = jnp.where(upd, wr, segr_ref[...])


def _final_body(kk_ref, rlast_ref, u_ref, sega_ref, segr_ref,
                tgs_ref, tge_ref,
                sel_ref, rnk_ref, teas_ref, teae_ref, *, B, KF, L):
    K = kk_ref[0]
    u = u_ref[...]
    ki = lax.broadcasted_iota(jnp.int32, (1, KF), 1)
    bcol = lax.broadcasted_iota(jnp.int32, (B, 1), 0)
    ohb = (u == bcol) & (ki < K)
    covered = jnp.max(jnp.where(ohb, 1, 0), axis=1, keepdims=True) > 0
    selv = jnp.sum(jnp.where(ohb, sega_ref[...], 0), axis=1, keepdims=True)
    rankv = jnp.sum(jnp.where(ohb, segr_ref[...], 0), axis=1, keepdims=True)
    kv = jnp.sum(jnp.where(ohb, ki, 0), axis=1, keepdims=True)
    sel_ref[...] = jnp.where(covered, selv, _MAXI)
    rnk_ref[...] = jnp.where(covered, rankv, rlast_ref[0])
    kb = jnp.where(covered, kv, K - 1)
    k2 = lax.broadcasted_iota(jnp.int32, (1, tgs_ref.shape[0]), 1)
    oh2 = (kb == k2).astype(jnp.float32)
    teas_ref[...] = _DOT(oh2, tgs_ref[:, :L])
    teae_ref[...] = _DOT(oh2, tge_ref[:, :L])


def kernel(stu_start_logits, stu_end_logits, augment_rank, nn_mask, indices,
           nn_ranks, teacher_start_logits, teacher_end_logits):
    N, L = stu_start_logits.shape
    B = indices.shape[0]
    Lmax = teacher_start_logits.shape[1]
    R = 256
    TB = 256
    NB = N // R
    NT = B // TB + 1
    KT = NT * TB
    KF = 8 * TB

    m = nn_mask.astype(jnp.int32)
    idx = indices.astype(jnp.int32)
    rks = nn_ranks.astype(jnp.int32)

    is_new = jnp.concatenate(
        [jnp.ones((1,), jnp.int32), (m[1:] != m[:-1]).astype(jnp.int32)])
    r = jnp.cumsum(is_new) - 1
    K = r[-1] + 1
    u_full = jnp.full((KT,), m[-1], jnp.int32).at[r].set(m)
    ex_full = idx[u_full]

    tg_s, tg_e = _sc_gather_rows(teacher_start_logits, teacher_end_logits,
                                 ex_full)

    bigtab = pl.pallas_call(
        functools.partial(_ptab_body, L=L),
        grid=(NT,),
        in_specs=[pl.BlockSpec((TB, Lmax), lambda i: (i, 0)),
                  pl.BlockSpec((TB, Lmax), lambda i: (i, 0))],
        out_specs=pl.BlockSpec((1, 3, TB, 2 * L), lambda i: (i, 0, 0, 0)),
        out_shape=jax.ShapeDtypeStruct((NT, 3, TB, 2 * L), jnp.bfloat16),
    )(tg_s, tg_e)

    w0s = (r[::R] // TB).astype(jnp.int32)
    augf = jnp.asarray(augment_rank).astype(jnp.float32).reshape(1)
    r3 = r.reshape(NB, R, 1)
    rk3 = rks.reshape(NB, R, 1)

    stu_spec = pl.BlockSpec((R, L), lambda i, w, a: (i, 0))
    row_spec = pl.BlockSpec((1, R, 1), lambda i, w, a: (i, 0, 0))
    lo_spec = pl.BlockSpec((1, 3, TB, 2 * L), lambda i, w, a: (w[i], 0, 0, 0))
    hi_spec = pl.BlockSpec((1, 3, TB, 2 * L), lambda i, w, a: (w[i] + 1, 0, 0, 0))
    seg_spec = pl.BlockSpec((8, TB), lambda i, w, a: (0, 0))

    segv, sega, segr = pl.pallas_call(
        functools.partial(_main_body, R=R, TB=TB, L=L),
        grid_spec=pltpu.PrefetchScalarGridSpec(
            num_scalar_prefetch=2,
            grid=(NB,),
            in_specs=[stu_spec, stu_spec, row_spec, row_spec,
                      lo_spec, hi_spec],
            out_specs=[seg_spec, seg_spec, seg_spec],
        ),
        out_shape=[jax.ShapeDtypeStruct((8, TB), jnp.float32),
                   jax.ShapeDtypeStruct((8, TB), jnp.int32),
                   jax.ShapeDtypeStruct((8, TB), jnp.int32)],
    )(w0s, augf, stu_start_logits, stu_end_logits, r3, rk3,
      bigtab, bigtab)

    u_row = jnp.pad(u_full, (0, KF - KT), constant_values=-1).reshape(1, KF)
    sega_row = sega.reshape(1, KF)
    segr_row = segr.reshape(1, KF)
    kk = K.reshape(1)
    rlast = rks[-1:]

    full = lambda shp: pl.BlockSpec(shp, lambda k, rl: tuple(0 for _ in shp))
    sel, rnk, tea_s, tea_e = pl.pallas_call(
        functools.partial(_final_body, B=B, KF=KF, L=L),
        grid_spec=pltpu.PrefetchScalarGridSpec(
            num_scalar_prefetch=2,
            grid=(),
            in_specs=[full((1, KF)), full((1, KF)), full((1, KF)),
                      full((KT, Lmax)), full((KT, Lmax))],
            out_specs=[full((B, 1)), full((B, 1)),
                       full((B, L)), full((B, L))],
        ),
        out_shape=[jax.ShapeDtypeStruct((B, 1), jnp.int32),
                   jax.ShapeDtypeStruct((B, 1), jnp.int32),
                   jax.ShapeDtypeStruct((B, L), jnp.float32),
                   jax.ShapeDtypeStruct((B, L), jnp.float32)],
    )(kk, rlast, u_row, sega_row, segr_row, tg_s, tg_e)

    return (sel.reshape(B), rnk.reshape(B), tea_s, tea_e)

# --- scband reference (transcript-rebuilt; emitter-appended) ---
"""Pipeline reference for scband-glitter-for-question-answering-24610162606203 (READ-ONLY COPY).

The authoritative reference and input builder live on the scoring server;
editing this copy changes nothing except your own understanding.
"""

import jax, jax.numpy as jnp
import numpy as np

TEMPERATURE = 2.0


def scatter_max(src, index, num_segments):
    seg_max = jax.ops.segment_max(src, index, num_segments=num_segments)
    n = src.shape[0]
    is_max = src == seg_max[index]
    cand = jnp.where(is_max, jnp.arange(n), n)
    argmax = jax.ops.segment_min(cand, index, num_segments=num_segments)
    return seg_max, argmax


def setup_inputs(seed: int = 0) -> dict:
    key = jax.random.key(seed)
    ks = jax.random.split(key, 8)
    N, L, B, T, Lmax = 16384, 384, 1024, 50000, 512
    return {
        "stu_start_logits": jax.random.normal(ks[0], (N, L), dtype=jnp.float32),
        "stu_end_logits": jax.random.normal(ks[1], (N, L), dtype=jnp.float32),
        "augment_rank": 1,
        "nn_mask": jnp.sort(jax.random.randint(ks[2], (N,), 0, B, dtype=jnp.int64) if jax.config.jax_enable_x64 else jax.random.randint(ks[2], (N,), 0, B)),
        "indices": jax.random.randint(ks[3], (B,), 0, T),
        "nn_ranks": jax.random.randint(ks[4], (N,), 0, 16),
        "teacher_start_logits": jax.random.normal(ks[5], (T, Lmax), dtype=jnp.float32),
        "teacher_end_logits": jax.random.normal(ks[6], (T, Lmax), dtype=jnp.float32),
    }


def _kl_distance(stu_logits, tea_logits, temperature):
    logq = jax.nn.log_softmax(stu_logits / temperature, axis=-1)
    p = jax.nn.softmax(tea_logits / temperature, axis=-1)
    return jnp.sum(p * (jnp.log(p) - logq), axis=-1)


def reference(stu_start_logits, stu_end_logits, augment_rank, nn_mask, indices, nn_ranks, teacher_start_logits, teacher_end_logits):
    L_start = stu_start_logits.shape[-1]
    L_end = stu_end_logits.shape[-1]
    ex_idx = indices[nn_mask]
    tea_start_logits = teacher_start_logits[ex_idx, :L_start]
    tea_end_logits = teacher_end_logits[ex_idx, :L_end]
    start_distances = _kl_distance(stu_start_logits, tea_start_logits, TEMPERATURE)
    end_distances = _kl_distance(stu_end_logits, tea_end_logits, TEMPERATURE)
    distances = (start_distances + end_distances) / 2.0
    distances = distances * jnp.asarray(augment_rank).astype(distances.dtype)
    num_segments = indices.shape[0]
    _dists, _indices = None, None
    for j in range(1):
        _dists, _indices = scatter_max(distances, nn_mask, num_segments)
        if j > 0:
            keep = (_dists != 0) & (~jnp.isinf(_dists))
            _indices = _indices[keep]
            _dists = _dists[keep]
        distances = distances.at[_indices].set(-jnp.inf, mode="drop")
    selected_indices = _indices
    selected_ranks = nn_ranks[selected_indices]
    return (selected_indices, selected_ranks, tea_start_logits[selected_indices], tea_end_logits[selected_indices])

if __name__ == "__main__":
    import jax
    _d = setup_inputs()
    print(jax.jit(kernel)(*tuple(_d.values())))

</pallas_src>

<mosaic_0001>
#map = affine_map<(d0, d1) -> (0, 0)>
#map1 = affine_map<(d0, d1) -> (0)>
module attributes {stable_mosaic.version = 14 : i64} {
  func.func @k(%arg0: i32, %arg1: i32, %arg2: memref<50000x512xf32, #tpu.memory_space<hbm>>, %arg3: memref<50000x512xf32, #tpu.memory_space<hbm>>, %arg4: memref<1280xi32, #tpu.memory_space<hbm>>, %arg5: memref<1280x512xf32, #tpu.memory_space<hbm>>, %arg6: memref<1280x512xf32, #tpu.memory_space<hbm>>, %arg7: memref<40xi32, #tpu.memory_space<vmem>>, %arg8: memref<40x512xf32, #tpu.memory_space<vmem>>, %arg9: memref<!tpu.dma_semaphore, #tpu.memory_space<semaphore_mem>>) attributes {dimension_semantics = [#tpu.dimension_semantics<core_parallel>, #tpu.dimension_semantics<subcore_parallel>], iteration_bounds = array<i64: 2, 16>, scalar_prefetch = 0 : i64, scratch_operands = 3 : i64, tpu.core_type = #tpu.core_type<sc_vector_subcore>, window_params = [{transform_indices = #map}, {transform_indices = #map}, {transform_indices = #map1}, {transform_indices = #map}, {transform_indices = #map}]} {
    %mul3A = arith.constant 2 : i32
    %mul3A_0 = arith.muli %arg1, %mul3A : i32
    %add3A = arith.addi %mul3A_0, %arg0 : i32
    %mul3A_1 = arith.constant 40 : i32
    %mul3A_2 = arith.muli %add3A, %mul3A_1 : i32
    "tpu.region"() ({
      %run_scoped3A = tpu.sem_alloc : memref<!tpu.dma_semaphore, #tpu.memory_space<semaphore_mem>>
      %dma_start3A_13 = tpu.memref_slice %arg4[%mul3A_2] : memref<1280xi32, #tpu.memory_space<hbm>> -> memref<40xi32, #tpu.memory_space<hbm>>
      %dma_start3A_14 = tpu.memref_slice %arg4[%mul3A_2] : memref<1280xi32, #tpu.memory_space<hbm>> -> memref<40xi32, #tpu.memory_space<hbm>>
      tpu.enqueue_dma source(%dma_start3A_14 : memref<40xi32, #tpu.memory_space<hbm>>) target(%arg7 : memref<40xi32, #tpu.memory_space<vmem>>) target_semaphore(%run_scoped3A : memref<!tpu.dma_semaphore, #tpu.memory_space<semaphore_mem>>)
      %dma_wait3A_15 = tpu.memref_slice %arg4[%mul3A_2] : memref<1280xi32, #tpu.memory_space<hbm>> -> memref<40xi32, #tpu.memory_space<hbm>>
      %dma_wait3A_16 = tpu.memref_slice %arg4[%mul3A_2] : memref<1280xi32, #tpu.memory_space<hbm>> -> memref<40xi32, #tpu.memory_space<hbm>>
      tpu.wait_dma2 semaphore(%run_scoped3A : memref<!tpu.dma_semaphore, #tpu.memory_space<semaphore_mem>>) src(%dma_wait3A_16 : memref<40xi32, #tpu.memory_space<hbm>>) dst(%arg7 : memref<40xi32, #tpu.memory_space<vmem>>)
      tpu.yield
    }) : () -> ()
    %dma_start3A = arith.constant 0 : i32
    %dma_start3A_3 = arith.constant 0 : i32
    %dma_start3A_4 = tpu.memref_slice %arg2[%dma_start3A, %dma_start3A_3] : memref<50000x512xf32, #tpu.memory_space<hbm>> -> memref<50000x512xf32, #tpu.memory_space<hbm>>
    tpu.enqueue_indirect_dma source(%dma_start3A_4 : memref<50000x512xf32, #tpu.memory_space<hbm>>) target(%arg8 : memref<40x512xf32, #tpu.memory_space<vmem>>) offsets(%arg7 : memref<40xi32, #tpu.memory_space<vmem>>) semaphore(%arg9 : memref<!tpu.dma_semaphore, #tpu.memory_space<semaphore_mem>>)
    %dma_wait3A = arith.constant 0 : i32
    %dma_wait3A_5 = arith.constant 0 : i32
    %dma_wait3A_6 = tpu.memref_slice %arg2[%dma_wait3A, %dma_wait3A_5] : memref<50000x512xf32, #tpu.memory_space<hbm>> -> memref<50000x512xf32, #tpu.memory_space<hbm>>
    tpu.wait_indirect_dma semaphore(%arg9 : memref<!tpu.dma_semaphore, #tpu.memory_space<semaphore_mem>>) src(%dma_wait3A_6 : memref<50000x512xf32, #tpu.memory_space<hbm>>) dst(%arg8 : memref<40x512xf32, #tpu.memory_space<vmem>>)
    "tpu.region"() ({
      %run_scoped3A = tpu.sem_alloc : memref<!tpu.dma_semaphore, #tpu.memory_space<semaphore_mem>>
      %dma_start3A_13 = arith.constant 0 : i32
      %dma_start3A_14 = tpu.memref_slice %arg5[%mul3A_2, %dma_start3A_13] : memref<1280x512xf32, #tpu.memory_space<hbm>> -> memref<40x512xf32, #tpu.memory_space<hbm>>
      %dma_start3A_15 = arith.constant 0 : i32
      %dma_start3A_16 = tpu.memref_slice %arg5[%mul3A_2, %dma_start3A_15] : memref<1280x512xf32, #tpu.memory_space<hbm>> -> memref<40x512xf32, #tpu.memory_space<hbm>>
      tpu.enqueue_dma source(%arg8 : memref<40x512xf32, #tpu.memory_space<vmem>>) target(%dma_start3A_16 : memref<40x512xf32, #tpu.memory_space<hbm>>) target_semaphore(%run_scoped3A : memref<!tpu.dma_semaphore, #tpu.memory_space<semaphore_mem>>)
      %dma_wait3A_17 = arith.constant 0 : i32
      %dma_wait3A_18 = tpu.memref_slice %arg5[%mul3A_2, %dma_wait3A_17] : memref<1280x512xf32, #tpu.memory_space<hbm>> -> memref<40x512xf32, #tpu.memory_space<hbm>>
      %dma_wait3A_19 = arith.constant 0 : i32
      %dma_wait3A_20 = tpu.memref_slice %arg5[%mul3A_2, %dma_wait3A_19] : memref<1280x512xf32, #tpu.memory_space<hbm>> -> memref<40x512xf32, #tpu.memory_space<hbm>>
      tpu.wait_dma2 semaphore(%run_scoped3A : memref<!tpu.dma_semaphore, #tpu.memory_space<semaphore_mem>>) src(%arg8 : memref<40x512xf32, #tpu.memory_space<vmem>>) dst(%dma_wait3A_20 : memref<40x512xf32, #tpu.memory_space<hbm>>)
      tpu.yield
    }) : () -> ()
    %dma_start3A_7 = arith.constant 0 : i32
    %dma_start3A_8 = arith.constant 0 : i32
    %dma_start3A_9 = tpu.memref_slice %arg3[%dma_start3A_7, %dma_start3A_8] : memref<50000x512xf32, #tpu.memory_space<hbm>> -> memref<50000x512xf32, #tpu.memory_space<hbm>>
    tpu.enqueue_indirect_dma source(%dma_start3A_9 : memref<50000x512xf32, #tpu.memory_space<hbm>>) target(%arg8 : memref<40x512xf32, #tpu.memory_space<vmem>>) offsets(%arg7 : memref<40xi32, #tpu.memory_space<vmem>>) semaphore(%arg9 : memref<!tpu.dma_semaphore, #tpu.memory_space<semaphore_mem>>)
    %dma_wait3A_10 = arith.constant 0 : i32
    %dma_wait3A_11 = arith.constant 0 : i32
    %dma_wait3A_12 = tpu.memref_slice %arg3[%dma_wait3A_10, %dma_wait3A_11] : memref<50000x512xf32, #tpu.memory_space<hbm>> -> memref<50000x512xf32, #tpu.memory_space<hbm>>
    tpu.wait_indirect_dma semaphore(%arg9 : memref<!tpu.dma_semaphore, #tpu.memory_space<semaphore_mem>>) src(%dma_wait3A_12 : memref<50000x512xf32, #tpu.memory_space<hbm>>) dst(%arg8 : memref<40x512xf32, #tpu.memory_space<vmem>>)
    "tpu.region"() ({
      %run_scoped3A = tpu.sem_alloc : memref<!tpu.dma_semaphore, #tpu.memory_space<semaphore_mem>>
      %dma_start3A_13 = arith.constant 0 : i32
      %dma_start3A_14 = tpu.memref_slice %arg6[%mul3A_2, %dma_start3A_13] : memref<1280x512xf32, #tpu.memory_space<hbm>> -> memref<40x512xf32, #tpu.memory_space<hbm>>
      %dma_start3A_15 = arith.constant 0 : i32
      %dma_start3A_16 = tpu.memref_slice %arg6[%mul3A_2, %dma_start3A_15] : memref<1280x512xf32, #tpu.memory_space<hbm>> -> memref<40x512xf32, #tpu.memory_space<hbm>>
      tpu.enqueue_dma source(%arg8 : memref<40x512xf32, #tpu.memory_space<vmem>>) target(%dma_start3A_16 : memref<40x512xf32, #tpu.memory_space<hbm>>) target_semaphore(%run_scoped3A : memref<!tpu.dma_semaphore, #tpu.memory_space<semaphore_mem>>)
      %dma_wait3A_17 = arith.constant 0 : i32
      %dma_wait3A_18 = tpu.memref_slice %arg6[%mul3A_2, %dma_wait3A_17] : memref<1280x512xf32, #tpu.memory_space<hbm>> -> memref<40x512xf32, #tpu.memory_space<hbm>>
      %dma_wait3A_19 = arith.constant 0 : i32
      %dma_wait3A_20 = tpu.memref_slice %arg6[%mul3A_2, %dma_wait3A_19] : memref<1280x512xf32, #tpu.memory_space<hbm>> -> memref<40x512xf32, #tpu.memory_space<hbm>>
      tpu.wait_dma2 semaphore(%run_scoped3A : memref<!tpu.dma_semaphore, #tpu.memory_space<semaphore_mem>>) src(%arg8 : memref<40x512xf32, #tpu.memory_space<vmem>>) dst(%dma_wait3A_20 : memref<40x512xf32, #tpu.memory_space<hbm>>)
      tpu.yield
    }) : () -> ()
    return
  }
}

module attributes {stable_mosaic.version = 14 : i64} {
  func.func @_ptab_body(%arg0: i32, %arg1: memref<256x512xf32, #tpu.memory_space<vmem>>, %arg2: memref<256x512xf32, #tpu.memory_space<vmem>>, %arg3: memref<1x3x256x768xbf16, #tpu.memory_space<vmem>>) attributes {dimension_semantics = [#tpu.dimension_semantics<arbitrary>], iteration_bounds = array<i64: 5>, scalar_prefetch = 0 : i64, scratch_operands = 0 : i64, tpu.core_type = #tpu.core_type<tc>, window_params = [{transform_indices = @transform_0, window_bounds = array<i64: 256, 512>}, {transform_indices = @transform_1, window_bounds = array<i64: 256, 512>}, {transform_indices = @transform_2, window_bounds = array<i64: 1, 3, 256, 768>}]} {
    %get3A = arith.constant 0 : index
    %get3A_0 = arith.constant 0 : index
    %get3A_1 = vector.load %arg1[%get3A, %get3A_0] : memref<256x512xf32, #tpu.memory_space<vmem>>, vector<256x384xf32>
    %mul3A = arith.constant 5.000000e-01 : f32
    %mul3A_2 = vector.broadcast %mul3A : f32 to vector<256x384xf32>
    %mul3A_3 = arith.mulf %get3A_1, %mul3A_2 : vector<256x384xf32>
    %reduce_max3A = arith.constant dense<0xFF800000> : vector<256xf32>
    %reduce_max3A_4 = vector.multi_reduction <maximumf>, %mul3A_3, %reduce_max3A [1] : vector<256x384xf32> to vector<256xf32>
    %broadcast_in_dim3A = vector.shape_cast %reduce_max3A_4 : vector<256xf32> to vector<256x1xf32>
    %sub3A = vector.broadcast %broadcast_in_dim3A : vector<256x1xf32> to vector<256x384xf32>
    %sub3A_5 = arith.subf %mul3A_3, %sub3A : vector<256x384xf32>
    %exp3A = math.exp %sub3A_5 : vector<256x384xf32>
    %reduce_sum3A = arith.constant dense<0.000000e+00> : vector<256xf32>
    %reduce_sum3A_6 = vector.multi_reduction <add>, %exp3A, %reduce_sum3A [1] : vector<256x384xf32> to vector<256xf32>
    %broadcast_in_dim3A_7 = vector.shape_cast %reduce_sum3A_6 : vector<256xf32> to vector<256x1xf32>
    %div3A = vector.broadcast %broadcast_in_dim3A_7 : vector<256x1xf32> to vector<256x384xf32>
    %div3A_8 = arith.divf %exp3A, %div3A : vector<256x384xf32>
    %convert_element_type3A = arith.truncf %div3A_8 : vector<256x384xf32> to vector<256x384xbf16>
    %convert_element_type3A_9 = arith.extf %convert_element_type3A : vector<256x384xbf16> to vector<256x384xf32>
    %sub3A_10 = arith.subf %div3A_8, %convert_element_type3A_9 : vector<256x384xf32>
    %convert_element_type3A_11 = arith.truncf %sub3A_10 : vector<256x384xf32> to vector<256x384xbf16>
    %convert_element_type3A_12 = arith.extf %convert_element_type3A_11 : vector<256x384xbf16> to vector<256x384xf32>
    %sub3A_13 = arith.subf %sub3A_10, %convert_element_type3A_12 : vector<256x384xf32>
    %convert_element_type3A_14 = arith.truncf %sub3A_13 : vector<256x384xf32> to vector<256x384xbf16>
    %swap3A = arith.constant 0 : index
    %swap3A_15 = arith.constant 0 : index
    %swap3A_16 = arith.constant 0 : index
    %swap3A_17 = arith.constant 0 : index
    %swap3A_18 = vector.load %arg3[%swap3A, %swap3A_15, %swap3A_16, %swap3A_17] : memref<1x3x256x768xbf16, #tpu.memory_space<vmem>>, vector<1x1x256x384xbf16>
    %swap3A_19 = vector.shape_cast %swap3A_18 : vector<1x1x256x384xbf16> to vector<256x384xbf16>
    %swap3A_20 = vector.shape_cast %convert_element_type3A : vector<256x384xbf16> to vector<1x1x256x384xbf16>
    tpu.vector_store %arg3[%swap3A, %swap3A_15, %swap3A_16, %swap3A_17], %swap3A_20 {strides = array<i32>} : memref<1x3x256x768xbf16, #tpu.memory_space<vmem>>, vector<1x1x256x384xbf16>,
    %swap3A_21 = arith.constant 0 : index
    %swap3A_22 = arith.constant 1 : index
    %swap3A_23 = arith.constant 0 : index
    %swap3A_24 = arith.constant 0 : index
    %swap3A_25 = vector.load %arg3[%swap3A_21, %swap3A_22, %swap3A_23, %swap3A_24] : memref<1x3x256x768xbf16, #tpu.memory_space<vmem>>, vector<1x1x256x384xbf16>
    %swap3A_26 = vector.shape_cast %swap3A_25 : vector<1x1x256x384xbf16> to vector<256x384xbf16>
    %swap3A_27 = vector.shape_cast %convert_element_type3A_11 : vector<256x384xbf16> to vector<1x1x256x384xbf16>
    tpu.vector_store %arg3[%swap3A_21, %swap3A_22, %swap3A_23, %swap3A_24], %swap3A_27 {strides = array<i32>} : memref<1x3x256x768xbf16, #tpu.memory_space<vmem>>, vector<1x1x256x384xbf16>,
    %swap3A_28 = arith.constant 0 : index
    %swap3A_29 = arith.constant 2 : index
    %swap3A_30 = arith.constant 0 : index
    %swap3A_31 = arith.constant 0 : index
    %swap3A_32 = vector.load %arg3[%swap3A_28, %swap3A_29, %swap3A_30, %swap3A_31] : memref<1x3x256x768xbf16, #tpu.memory_space<vmem>>, vector<1x1x256x384xbf16>
    %swap3A_33 = vector.shape_cast %swap3A_32 : vector<1x1x256x384xbf16> to vector<256x384xbf16>
    %swap3A_34 = vector.shape_cast %convert_element_type3A_14 : vector<256x384xbf16> to vector<1x1x256x384xbf16>
    tpu.vector_store %arg3[%swap3A_28, %swap3A_29, %swap3A_30, %swap3A_31], %swap3A_34 {strides = array<i32>} : memref<1x3x256x768xbf16, #tpu.memory_space<vmem>>, vector<1x1x256x384xbf16>,
    %get3A_35 = arith.constant 0 : index
    %get3A_36 = arith.constant 0 : index
    %get3A_37 = vector.load %arg2[%get3A_35, %get3A_36] : memref<256x512xf32, #tpu.memory_space<vmem>>, vector<256x384xf32>
    %mul3A_38 = arith.constant 5.000000e-01 : f32
    %mul3A_39 = vector.broadcast %mul3A_38 : f32 to vector<256x384xf32>
    %mul3A_40 = arith.mulf %get3A_37, %mul3A_39 : vector<256x384xf32>
    %reduce_max3A_41 = arith.constant dense<0xFF800000> : vector<256xf32>
    %reduce_max3A_42 = vector.multi_reduction <maximumf>, %mul3A_40, %reduce_max3A_41 [1] : vector<256x384xf32> to vector<256xf32>
    %broadcast_in_dim3A_43 = vector.shape_cast %reduce_max3A_42 : vector<256xf32> to vector<256x1xf32>
    %sub3A_44 = vector.broadcast %broadcast_in_dim3A_43 : vector<256x1xf32> to vector<256x384xf32>
    %sub3A_45 = arith.subf %mul3A_40, %sub3A_44 : vector<256x384xf32>
    %exp3A_46 = math.exp %sub3A_45 : vector<256x384xf32>
    %reduce_sum3A_47 = arith.constant dense<0.000000e+00> : vector<256xf32>
    %reduce_sum3A_48 = vector.multi_reduction <add>, %exp3A_46, %reduce_sum3A_47 [1] : vector<256x384xf32> to vector<256xf32>
    %broadcast_in_dim3A_49 = vector.shape_cast %reduce_sum3A_48 : vector<256xf32> to vector<256x1xf32>
    %div3A_50 = vector.broadcast %broadcast_in_dim3A_49 : vector<256x1xf32> to vector<256x384xf32>
    %div3A_51 = arith.divf %exp3A_46, %div3A_50 : vector<256x384xf32>
    %convert_element_type3A_52 = arith.truncf %div3A_51 : vector<256x384xf32> to vector<256x384xbf16>
    %convert_element_type3A_53 = arith.extf %convert_element_type3A_52 : vector<256x384xbf16> to vector<256x384xf32>
    %sub3A_54 = arith.subf %div3A_51, %convert_element_type3A_53 : vector<256x384xf32>
    %convert_element_type3A_55 = arith.truncf %sub3A_54 : vector<256x384xf32> to vector<256x384xbf16>
    %convert_element_type3A_56 = arith.extf %convert_element_type3A_55 : vector<256x384xbf16> to vector<256x384xf32>
    %sub3A_57 = arith.subf %sub3A_54, %convert_element_type3A_56 : vector<256x384xf32>
    %convert_element_type3A_58 = arith.truncf %sub3A_57 : vector<256x384xf32> to vector<256x384xbf16>
    %swap3A_59 = arith.constant 0 : index
    %swap3A_60 = arith.constant 0 : index
    %swap3A_61 = arith.constant 0 : index
    %swap3A_62 = arith.constant 384 : index
    %swap3A_63 = vector.load %arg3[%swap3A_59, %swap3A_60, %swap3A_61, %swap3A_62] : memref<1x3x256x768xbf16, #tpu.memory_space<vmem>>, vector<1x1x256x384xbf16>
    %swap3A_64 = vector.shape_cast %swap3A_63 : vector<1x1x256x384xbf16> to vector<256x384xbf16>
    %swap3A_65 = vector.shape_cast %convert_element_type3A_52 : vector<256x384xbf16> to vector<1x1x256x384xbf16>
    tpu.vector_store %arg3[%swap3A_59, %swap3A_60, %swap3A_61, %swap3A_62], %swap3A_65 {strides = array<i32>} : memref<1x3x256x768xbf16, #tpu.memory_space<vmem>>, vector<1x1x256x384xbf16>,
    %swap3A_66 = arith.constant 0 : index
    %swap3A_67 = arith.constant 1 : index
    %swap3A_68 = arith.constant 0 : index
    %swap3A_69 = arith.constant 384 : index
    %swap3A_70 = vector.load %arg3[%swap3A_66, %swap3A_67, %swap3A_68, %swap3A_69] : memref<1x3x256x768xbf16, #tpu.memory_space<vmem>>, vector<1x1x256x384xbf16>
    %swap3A_71 = vector.shape_cast %swap3A_70 : vector<1x1x256x384xbf16> to vector<256x384xbf16>
    %swap3A_72 = vector.shape_cast %convert_element_type3A_55 : vector<256x384xbf16> to vector<1x1x256x384xbf16>
    tpu.vector_store %arg3[%swap3A_66, %swap3A_67, %swap3A_68, %swap3A_69], %swap3A_72 {strides = array<i32>} : memref<1x3x256x768xbf16, #tpu.memory_space<vmem>>, vector<1x1x256x384xbf16>,
    %swap3A_73 = arith.constant 0 : index
    %swap3A_74 = arith.constant 2 : index
    %swap3A_75 = arith.constant 0 : index
    %swap3A_76 = arith.constant 384 : index
    %swap3A_77 = vector.load %arg3[%swap3A_73, %swap3A_74, %swap3A_75, %swap3A_76] : memref<1x3x256x768xbf16, #tpu.memory_space<vmem>>, vector<1x1x256x384xbf16>
    %swap3A_78 = vector.shape_cast %swap3A_77 : vector<1x1x256x384xbf16> to vector<256x384xbf16>
    %swap3A_79 = vector.shape_cast %convert_element_type3A_58 : vector<256x384xbf16> to vector<1x1x256x384xbf16>
    tpu.vector_store %arg3[%swap3A_73, %swap3A_74, %swap3A_75, %swap3A_76], %swap3A_79 {strides = array<i32>} : memref<1x3x256x768xbf16, #tpu.memory_space<vmem>>, vector<1x1x256x384xbf16>,
    return
  }
  func.func @transform_0(%arg0: i32) -> (i32, i32) {
    %c0_i32 = arith.constant 0 : i32
    %c0_i32_0 = arith.constant 0 : i32
    return %arg0, %c0_i32 : i32, i32
  }
  func.func @transform_1(%arg0: i32) -> (i32, i32) {
    %c0_i32 = arith.constant 0 : i32
    %c0_i32_0 = arith.constant 0 : i32
    return %arg0, %c0_i32 : i32, i32
  }
  func.func @transform_2(%arg0: i32) -> (i32, i32, i32, i32) {
    %c0_i32 = arith.constant 0 : i32
    %c0_i32_0 = arith.constant 0 : i32
    %c0_i32_1 = arith.constant 0 : i32
    %c0_i32_2 = arith.constant 0 : i32
    return %arg0, %c0_i32, %c0_i32_0, %c0_i32_1 : i32, i32, i32, i32
  }
}

module attributes {stable_mosaic.version = 14 : i64} {
  func.func @_main_body(%arg0: i32, %arg1: memref<64xi32, #tpu.memory_space<smem>>, %arg2: memref<1xf32, #tpu.memory_space<smem>>, %arg3: memref<256x384xf32, #tpu.memory_space<vmem>>, %arg4: memref<256x384xf32, #tpu.memory_space<vmem>>, %arg5: memref<1x256x1xi32, #tpu.memory_space<vmem>>, %arg6: memref<1x256x1xi32, #tpu.memory_space<vmem>>, %arg7: memref<1x3x256x768xbf16, #tpu.memory_space<vmem>>, %arg8: memref<1x3x256x768xbf16, #tpu.memory_space<vmem>>, %arg9: memref<8x256xf32, #tpu.memory_space<vmem>>, %arg10: memref<8x256xi32, #tpu.memory_space<vmem>>, %arg11: memref<8x256xi32, #tpu.memory_space<vmem>>) attributes {dimension_semantics = [#tpu.dimension_semantics<arbitrary>], iteration_bounds = array<i64: 64>, scalar_prefetch = 2 : i64, scratch_operands = 0 : i64, tpu.core_type = #tpu.core_type<tc>, window_params = [{transform_indices = @transform_0, window_bounds = array<i64: 256, 384>}, {transform_indices = @transform_1, window_bounds = array<i64: 256, 384>}, {transform_indices = @transform_2, window_bounds = array<i64: 1, 256, 1>}, {transform_indices = @transform_3, window_bounds = array<i64: 1, 256, 1>}, {transform_indices = @transform_4, window_bounds = array<i64: 1, 3, 256, 768>}, {transform_indices = @transform_5, window_bounds = array<i64: 1, 3, 256, 768>}, {pipeline_mode = #tpu.pipeline_mode<synchronous>, transform_indices = @transform_6, window_bounds = array<i64: 8, 256>}, {pipeline_mode = #tpu.pipeline_mode<synchronous>, transform_indices = @transform_7, window_bounds = array<i64: 8, 256>}, {pipeline_mode = #tpu.pipeline_mode<synchronous>, transform_indices = @transform_8, window_bounds = array<i64: 8, 256>}]} {
    %eq3A = arith.constant 0 : i32
    %eq3A_0 = arith.cmpi eq, %arg0, %eq3A : i32
    %convert_element_type3A = arith.extui %eq3A_0 : i1 to i32
    %cond3A = arith.constant 0 : i32
    %cond3A_1 = arith.cmpi ne, %convert_element_type3A, %cond3A : i32
    scf.if %cond3A_1 {
      %broadcast_in_dim3A_209 = arith.constant 0xFF800000 : f32
      %broadcast_in_dim3A_210 = vector.broadcast %broadcast_in_dim3A_209 : f32 to vector<8x256xf32>
      %swap3A_211 = arith.constant 0 : index
      %swap3A_212 = arith.constant 0 : index
      %swap3A_213 = vector.load %arg9[%swap3A_211, %swap3A_212] : memref<8x256xf32, #tpu.memory_space<vmem>>, vector<8x256xf32>
      tpu.vector_store %arg9[%swap3A_211, %swap3A_212], %broadcast_in_dim3A_210 {strides = array<i32>} : memref<8x256xf32, #tpu.memory_space<vmem>>, vector<8x256xf32>,
      %broadcast_in_dim3A_214 = arith.constant 2147483647 : i32
      %broadcast_in_dim3A_215 = vector.broadcast %broadcast_in_dim3A_214 : i32 to vector<8x256xi32>
      %swap3A_216 = arith.constant 0 : index
      %swap3A_217 = arith.constant 0 : index
      %swap3A_218 = vector.load %arg10[%swap3A_216, %swap3A_217] : memref<8x256xi32, #tpu.memory_space<vmem>>, vector<8x256xi32>
      tpu.vector_store %arg10[%swap3A_216, %swap3A_217], %broadcast_in_dim3A_215 {strides = array<i32>} : memref<8x256xi32, #tpu.memory_space<vmem>>, vector<8x256xi32>,
      %broadcast_in_dim3A_219 = arith.constant 0 : i32
      %broadcast_in_dim3A_220 = vector.broadcast %broadcast_in_dim3A_219 : i32 to vector<8x256xi32>
      %swap3A_221 = arith.constant 0 : index
      %swap3A_222 = arith.constant 0 : index
      %swap3A_223 = vector.load %arg11[%swap3A_221, %swap3A_222] : memref<8x256xi32, #tpu.memory_space<vmem>>, vector<8x256xi32>
      tpu.vector_store %arg11[%swap3A_221, %swap3A_222], %broadcast_in_dim3A_220 {strides = array<i32>} : memref<8x256xi32, #tpu.memory_space<vmem>>, vector<8x256xi32>,
    } else {
    }
    %get3A = arith.index_cast %arg0 : i32 to index
    %get3A_2 = memref.load %arg1[%get3A] : memref<64xi32, #tpu.memory_space<smem>>
    %get3A_3 = arith.constant 0 : index
    %get3A_4 = arith.constant 0 : index
    %get3A_5 = arith.constant 0 : index
    %get3A_6 = vector.load %arg5[%get3A_3, %get3A_4, %get3A_5] : memref<1x256x1xi32, #tpu.memory_space<vmem>>, vector<1x256x1xi32>
    %get3A_7 = vector.shape_cast %get3A_6 : vector<1x256x1xi32> to vector<256x1xi32>
    %mul3A = arith.constant 256 : i32
    %mul3A_8 = arith.muli %get3A_2, %mul3A : i32
    %sub3A = vector.broadcast %mul3A_8 : i32 to vector<256x1xi32>
    %sub3A_9 = arith.subi %get3A_7, %sub3A : vector<256x1xi32>
    %get3A_10 = arith.constant 0 : index
    %get3A_11 = arith.constant 0 : index
    %get3A_12 = vector.load %arg3[%get3A_10, %get3A_11] : memref<256x384xf32, #tpu.memory_space<vmem>>, vector<256x384xf32>
    %mul3A_13 = arith.constant 5.000000e-01 : f32
    %mul3A_14 = vector.broadcast %mul3A_13 : f32 to vector<256x384xf32>
    %mul3A_15 = arith.mulf %get3A_12, %mul3A_14 : vector<256x384xf32>
    %reduce_max3A = arith.constant dense<0xFF800000> : vector<256xf32>
    %reduce_max3A_16 = vector.multi_reduction <maximumf>, %mul3A_15, %reduce_max3A [1] : vector<256x384xf32> to vector<256xf32>
    %broadcast_in_dim3A = vector.shape_cast %reduce_max3A_16 : vector<256xf32> to vector<256x1xf32>
    %sub3A_17 = vector.broadcast %broadcast_in_dim3A : vector<256x1xf32> to vector<256x384xf32>
    %sub3A_18 = arith.subf %mul3A_15, %sub3A_17 : vector<256x384xf32>
    %exp3A = math.exp %sub3A_18 : vector<256x384xf32>
    %reduce_sum3A = arith.constant dense<0.000000e+00> : vector<256xf32>
    %reduce_sum3A_19 = vector.multi_reduction <add>, %exp3A, %reduce_sum3A [1] : vector<256x384xf32> to vector<256xf32>
    %broadcast_in_dim3A_20 = vector.shape_cast %reduce_sum3A_19 : vector<256xf32> to vector<256x1xf32>
    %log3A = math.log %broadcast_in_dim3A_20 : vector<256x1xf32>
    %sub3A_21 = vector.broadcast %log3A : vector<256x1xf32> to vector<256x384xf32>
    %sub3A_22 = arith.subf %sub3A_18, %sub3A_21 : vector<256x384xf32>
    %get3A_23 = arith.constant 0 : index
    %get3A_24 = arith.constant 0 : index
    %get3A_25 = vector.load %arg4[%get3A_23, %get3A_24] : memref<256x384xf32, #tpu.memory_space<vmem>>, vector<256x384xf32>
    %mul3A_26 = arith.constant 5.000000e-01 : f32
    %mul3A_27 = vector.broadcast %mul3A_26 : f32 to vector<256x384xf32>
    %mul3A_28 = arith.mulf %get3A_25, %mul3A_27 : vector<256x384xf32>
    %reduce_max3A_29 = arith.constant dense<0xFF800000> : vector<256xf32>
    %reduce_max3A_30 = vector.multi_reduction <maximumf>, %mul3A_28, %reduce_max3A_29 [1] : vector<256x384xf32> to vector<256xf32>
    %broadcast_in_dim3A_31 = vector.shape_cast %reduce_max3A_30 : vector<256xf32> to vector<256x1xf32>
    %sub3A_32 = vector.broadcast %broadcast_in_dim3A_31 : vector<256x1xf32> to vector<256x384xf32>
    %sub3A_33 = arith.subf %mul3A_28, %sub3A_32 : vector<256x384xf32>
    %exp3A_34 = math.exp %sub3A_33 : vector<256x384xf32>
    %reduce_sum3A_35 = arith.constant dense<0.000000e+00> : vector<256xf32>
    %reduce_sum3A_36 = vector.multi_reduction <add>, %exp3A_34, %reduce_sum3A_35 [1] : vector<256x384xf32> to vector<256xf32>
    %broadcast_in_dim3A_37 = vector.shape_cast %reduce_sum3A_36 : vector<256xf32> to vector<256x1xf32>
    %log3A_38 = math.log %broadcast_in_dim3A_37 : vector<256x1xf32>
    %sub3A_39 = vector.broadcast %log3A_38 : vector<256x1xf32> to vector<256x384xf32>
    %sub3A_40 = arith.subf %sub3A_33, %sub3A_39 : vector<256x384xf32>
    %iota3A = tpu.iota {dimensions = array<i32: 1>} : vector<256x256xi32>
    %eq3A_41 = vector.broadcast %sub3A_9 : vector<256x1xi32> to vector<256x256xi32>
    %eq3A_42 = arith.cmpi eq, %eq3A_41, %iota3A : vector<256x256xi32>
    %sub3A_43 = arith.constant 256 : i32
    %sub3A_44 = vector.broadcast %sub3A_43 : i32 to vector<256x1xi32>
    %sub3A_45 = arith.subi %sub3A_9, %sub3A_44 : vector<256x1xi32>
    %eq3A_46 = vector.broadcast %sub3A_45 : vector<256x1xi32> to vector<256x256xi32>
    %eq3A_47 = arith.cmpi eq, %eq3A_46, %iota3A : vector<256x256xi32>
    %convert_element_type3A_48 = arith.extui %eq3A_42 : vector<256x256xi1> to vector<256x256xi32>
    %convert_element_type3A_49 = arith.sitofp %convert_element_type3A_48 : vector<256x256xi32> to vector<256x256xf32>
    %convert_element_type3A_50 = arith.truncf %convert_element_type3A_49 : vector<256x256xf32> to vector<256x256xbf16>
    %concatenate3A = tpu.concatenate %convert_element_type3A_50, %convert_element_type3A_50, %convert_element_type3A_50 in 1 : vector<256x256xbf16>, vector<256x256xbf16>, vector<256x256xbf16> -> vector<256x768xbf16>
    %get3A_51 = arith.constant 0 : index
    %get3A_52 = arith.constant 0 : index
    %get3A_53 = arith.constant 0 : index
    %get3A_54 = arith.constant 0 : index
    %get3A_55 = vector.load %arg7[%get3A_51, %get3A_52, %get3A_53, %get3A_54] : memref<1x3x256x768xbf16, #tpu.memory_space<vmem>>, vector<1x3x256x768xbf16>
    %get3A_56 = vector.shape_cast %get3A_55 : vector<1x3x256x768xbf16> to vector<3x256x768xbf16>
    %reshape3A = vector.shape_cast %get3A_56 : vector<3x256x768xbf16> to vector<768x768xbf16>
    %dot_general3A = arith.constant dense<0.000000e+00> : vector<256x768xf32>
    %dot_general3A_57 = tpu.matmul %concatenate3A, %reshape3A, %dot_general3A {dimension_numbers = #tpu.dot_dimension_numbers<[1], [0], [0], [1], [0, 0, 1, 1], [], []>, transpose_lhs_hint = false} : vector<256x768xbf16>, vector<768x768xbf16>, vector<256x768xf32> -> vector<256x768xf32>
    %convert_element_type3A_58 = arith.extui %eq3A_47 : vector<256x256xi1> to vector<256x256xi32>
    %convert_element_type3A_59 = arith.sitofp %convert_element_type3A_58 : vector<256x256xi32> to vector<256x256xf32>
    %convert_element_type3A_60 = arith.truncf %convert_element_type3A_59 : vector<256x256xf32> to vector<256x256xbf16>
    %concatenate3A_61 = tpu.concatenate %convert_element_type3A_60, %convert_element_type3A_60, %convert_element_type3A_60 in 1 : vector<256x256xbf16>, vector<256x256xbf16>, vector<256x256xbf16> -> vector<256x768xbf16>
    %get3A_62 = arith.constant 0 : index
    %get3A_63 = arith.constant 0 : index
    %get3A_64 = arith.constant 0 : index
    %get3A_65 = arith.constant 0 : index
    %get3A_66 = vector.load %arg8[%get3A_62, %get3A_63, %get3A_64, %get3A_65] : memref<1x3x256x768xbf16, #tpu.memory_space<vmem>>, vector<1x3x256x768xbf16>
    %get3A_67 = vector.shape_cast %get3A_66 : vector<1x3x256x768xbf16> to vector<3x256x768xbf16>
    %reshape3A_68 = vector.shape_cast %get3A_67 : vector<3x256x768xbf16> to vector<768x768xbf16>
    %dot_general3A_69 = arith.constant dense<0.000000e+00> : vector<256x768xf32>
    %dot_general3A_70 = tpu.matmul %concatenate3A_61, %reshape3A_68, %dot_general3A_69 {dimension_numbers = #tpu.dot_dimension_numbers<[1], [0], [0], [1], [0, 0, 1, 1], [], []>, transpose_lhs_hint = false} : vector<256x768xbf16>, vector<768x768xbf16>, vector<256x768xf32> -> vector<256x768xf32>
    %add3A = arith.addf %dot_general3A_57, %dot_general3A_70 : vector<256x768xf32>
    %slice3A = vector.extract_strided_slice %add3A {offsets = [0, 0], sizes = [256, 384], strides = [1, 1]} : vector<256x768xf32> to vector<256x384xf32>
    %slice3A_71 = vector.extract_strided_slice %add3A {offsets = [0, 384], sizes = [256, 384], strides = [1, 1]} : vector<256x768xf32> to vector<256x384xf32>
    %log3A_72 = math.log %slice3A : vector<256x384xf32>
    %log3A_73 = math.log %slice3A_71 : vector<256x384xf32>
    %sub3A_74 = arith.subf %log3A_72, %sub3A_22 : vector<256x384xf32>
    %mul3A_75 = arith.mulf %slice3A, %sub3A_74 : vector<256x384xf32>
    %reduce_sum3A_76 = arith.constant dense<0.000000e+00> : vector<256xf32>
    %reduce_sum3A_77 = vector.multi_reduction <add>, %mul3A_75, %reduce_sum3A_76 [1] : vector<256x384xf32> to vector<256xf32>
    %broadcast_in_dim3A_78 = vector.shape_cast %reduce_sum3A_77 : vector<256xf32> to vector<256x1xf32>
    %sub3A_79 = arith.subf %log3A_73, %sub3A_40 : vector<256x384xf32>
    %mul3A_80 = arith.mulf %slice3A_71, %sub3A_79 : vector<256x384xf32>
    %reduce_sum3A_81 = arith.constant dense<0.000000e+00> : vector<256xf32>
    %reduce_sum3A_82 = vector.multi_reduction <add>, %mul3A_80, %reduce_sum3A_81 [1] : vector<256x384xf32> to vector<256xf32>
    %broadcast_in_dim3A_83 = vector.shape_cast %reduce_sum3A_82 : vector<256xf32> to vector<256x1xf32>
    %add3A_84 = arith.addf %broadcast_in_dim3A_78, %broadcast_in_dim3A_83 : vector<256x1xf32>
    %mul3A_85 = arith.constant 5.000000e-01 : f32
    %mul3A_86 = vector.broadcast %mul3A_85 : f32 to vector<256x1xf32>
    %mul3A_87 = arith.mulf %add3A_84, %mul3A_86 : vector<256x1xf32>
    %get3A_88 = arith.constant 0 : index
    %get3A_89 = memref.load %arg2[%get3A_88] : memref<1xf32, #tpu.memory_space<smem>>
    %mul3A_90 = vector.broadcast %get3A_89 : f32 to vector<256x1xf32>
    %mul3A_91 = arith.mulf %mul3A_87, %mul3A_90 : vector<256x1xf32>
    %mul3A_92 = arith.constant 256 : i32
    %mul3A_93 = arith.muli %arg0, %mul3A_92 : i32
    %iota3A_94 = tpu.iota {dimensions = array<i32: 0>} : vector<256x1xi32>
    %add3A_95 = vector.broadcast %mul3A_93 : i32 to vector<256x1xi32>
    %add3A_96 = arith.addi %add3A_95, %iota3A_94 : vector<256x1xi32>
    %get3A_97 = arith.constant 0 : index
    %get3A_98 = arith.constant 0 : index
    %get3A_99 = arith.constant 0 : index
    %get3A_100 = vector.load %arg6[%get3A_97, %get3A_98, %get3A_99] : memref<1x256x1xi32, #tpu.memory_space<vmem>>, vector<1x256x1xi32>
    %get3A_101 = vector.shape_cast %get3A_100 : vector<1x256x1xi32> to vector<256x1xi32>
    %jit3A = arith.constant 0xFF800000 : f32
    %broadcast_in_dim3A_102 = vector.shape_cast %mul3A_91 : vector<256x1xf32> to vector<256x1xf32>
    %broadcast_in_dim3A_103 = vector.broadcast %broadcast_in_dim3A_102 : vector<256x1xf32> to vector<256x256xf32>
    %broadcast_in_dim3A_104 = vector.broadcast %jit3A : f32 to vector<256x256xf32>
    %select_n3A = arith.select %eq3A_42, %broadcast_in_dim3A_103, %broadcast_in_dim3A_104 : vector<256x256xi1>, vector<256x256xf32>
    %reduce_max3A_105 = arith.constant dense<0xFF800000> : vector<256xf32>
    %reduce_max3A_106 = vector.multi_reduction <maximumf>, %select_n3A, %reduce_max3A_105 [0] : vector<256x256xf32> to vector<256xf32>
    %broadcast_in_dim3A_107 = vector.shape_cast %reduce_max3A_106 : vector<256xf32> to vector<1x256xf32>
    %eq3A_108 = vector.broadcast %broadcast_in_dim3A_107 : vector<1x256xf32> to vector<256x256xf32>
    %eq3A_109 = arith.cmpf oeq, %select_n3A, %eq3A_108 : vector<256x256xf32>
    %and3A = arith.andi %eq3A_42, %eq3A_109 : vector<256x256xi1>
    %jit3A_110 = arith.constant 2147483647 : i32
    %broadcast_in_dim3A_111 = vector.shape_cast %add3A_96 : vector<256x1xi32> to vector<256x1xi32>
    %broadcast_in_dim3A_112 = vector.broadcast %broadcast_in_dim3A_111 : vector<256x1xi32> to vector<256x256xi32>
    %broadcast_in_dim3A_113 = vector.broadcast %jit3A_110 : i32 to vector<256x256xi32>
    %select_n3A_114 = arith.select %and3A, %broadcast_in_dim3A_112, %broadcast_in_dim3A_113 : vector<256x256xi1>, vector<256x256xi32>
    %reduce_min3A = arith.constant dense<2147483647> : vector<256xi32>
    %reduce_min3A_115 = vector.multi_reduction <minsi>, %select_n3A_114, %reduce_min3A [0] : vector<256x256xi32> to vector<256xi32>
    %broadcast_in_dim3A_116 = vector.shape_cast %reduce_min3A_115 : vector<256xi32> to vector<1x256xi32>
    %eq3A_117 = vector.broadcast %add3A_96 : vector<256x1xi32> to vector<256x256xi32>
    %eq3A_118 = vector.broadcast %broadcast_in_dim3A_116 : vector<1x256xi32> to vector<256x256xi32>
    %eq3A_119 = arith.cmpi eq, %eq3A_117, %eq3A_118 : vector<256x256xi32>
    %jit3A_120 = arith.constant 0 : i32
    %broadcast_in_dim3A_121 = vector.shape_cast %get3A_101 : vector<256x1xi32> to vector<256x1xi32>
    %broadcast_in_dim3A_122 = vector.broadcast %broadcast_in_dim3A_121 : vector<256x1xi32> to vector<256x256xi32>
    %broadcast_in_dim3A_123 = vector.broadcast %jit3A_120 : i32 to vector<256x256xi32>
    %select_n3A_124 = arith.select %eq3A_119, %broadcast_in_dim3A_122, %broadcast_in_dim3A_123 : vector<256x256xi1>, vector<256x256xi32>
    %reduce_sum3A_125 = arith.constant dense<0> : vector<256xi32>
    %reduce_sum3A_126 = vector.multi_reduction <add>, %select_n3A_124, %reduce_sum3A_125 [0] : vector<256x256xi32> to vector<256xi32>
    %broadcast_in_dim3A_127 = vector.shape_cast %reduce_sum3A_126 : vector<256xi32> to vector<1x256xi32>
    %jit3A_128 = arith.constant 0xFF800000 : f32
    %broadcast_in_dim3A_129 = vector.shape_cast %mul3A_91 : vector<256x1xf32> to vector<256x1xf32>
    %broadcast_in_dim3A_130 = vector.broadcast %broadcast_in_dim3A_129 : vector<256x1xf32> to vector<256x256xf32>
    %broadcast_in_dim3A_131 = vector.broadcast %jit3A_128 : f32 to vector<256x256xf32>
    %select_n3A_132 = arith.select %eq3A_47, %broadcast_in_dim3A_130, %broadcast_in_dim3A_131 : vector<256x256xi1>, vector<256x256xf32>
    %reduce_max3A_133 = arith.constant dense<0xFF800000> : vector<256xf32>
    %reduce_max3A_134 = vector.multi_reduction <maximumf>, %select_n3A_132, %reduce_max3A_133 [0] : vector<256x256xf32> to vector<256xf32>
    %broadcast_in_dim3A_135 = vector.shape_cast %reduce_max3A_134 : vector<256xf32> to vector<1x256xf32>
    %eq3A_136 = vector.broadcast %broadcast_in_dim3A_135 : vector<1x256xf32> to vector<256x256xf32>
    %eq3A_137 = arith.cmpf oeq, %select_n3A_132, %eq3A_136 : vector<256x256xf32>
    %and3A_138 = arith.andi %eq3A_47, %eq3A_137 : vector<256x256xi1>
    %jit3A_139 = arith.constant 2147483647 : i32
    %broadcast_in_dim3A_140 = vector.shape_cast %add3A_96 : vector<256x1xi32> to vector<256x1xi32>
    %broadcast_in_dim3A_141 = vector.broadcast %broadcast_in_dim3A_140 : vector<256x1xi32> to vector<256x256xi32>
    %broadcast_in_dim3A_142 = vector.broadcast %jit3A_139 : i32 to vector<256x256xi32>
    %select_n3A_143 = arith.select %and3A_138, %broadcast_in_dim3A_141, %broadcast_in_dim3A_142 : vector<256x256xi1>, vector<256x256xi32>
    %reduce_min3A_144 = arith.constant dense<2147483647> : vector<256xi32>
    %reduce_min3A_145 = vector.multi_reduction <minsi>, %select_n3A_143, %reduce_min3A_144 [0] : vector<256x256xi32> to vector<256xi32>
    %broadcast_in_dim3A_146 = vector.shape_cast %reduce_min3A_145 : vector<256xi32> to vector<1x256xi32>
    %eq3A_147 = vector.broadcast %add3A_96 : vector<256x1xi32> to vector<256x256xi32>
    %eq3A_148 = vector.broadcast %broadcast_in_dim3A_146 : vector<1x256xi32> to vector<256x256xi32>
    %eq3A_149 = arith.cmpi eq, %eq3A_147, %eq3A_148 : vector<256x256xi32>
    %jit3A_150 = arith.constant 0 : i32
    %broadcast_in_dim3A_151 = vector.shape_cast %get3A_101 : vector<256x1xi32> to vector<256x1xi32>
    %broadcast_in_dim3A_152 = vector.broadcast %broadcast_in_dim3A_151 : vector<256x1xi32> to vector<256x256xi32>
    %broadcast_in_dim3A_153 = vector.broadcast %jit3A_150 : i32 to vector<256x256xi32>
    %select_n3A_154 = arith.select %eq3A_149, %broadcast_in_dim3A_152, %broadcast_in_dim3A_153 : vector<256x256xi1>, vector<256x256xi32>
    %reduce_sum3A_155 = arith.constant dense<0> : vector<256xi32>
    %reduce_sum3A_156 = vector.multi_reduction <add>, %select_n3A_154, %reduce_sum3A_155 [0] : vector<256x256xi32> to vector<256xi32>
    %broadcast_in_dim3A_157 = vector.shape_cast %reduce_sum3A_156 : vector<256xi32> to vector<1x256xi32>
    %iota3A_158 = tpu.iota {dimensions = array<i32: 0>} : vector<8x256xi32>
    %eq3A_159 = vector.broadcast %get3A_2 : i32 to vector<8x256xi32>
    %eq3A_160 = arith.cmpi eq, %iota3A_158, %eq3A_159 : vector<8x256xi32>
    %add3A_161 = arith.constant 1 : i32
    %add3A_162 = arith.addi %get3A_2, %add3A_161 : i32
    %eq3A_163 = vector.broadcast %add3A_162 : i32 to vector<8x256xi32>
    %eq3A_164 = arith.cmpi eq, %iota3A_158, %eq3A_163 : vector<8x256xi32>
    %jit3A_165 = arith.constant 0xFF800000 : f32
    %broadcast_in_dim3A_166 = vector.shape_cast %broadcast_in_dim3A_135 : vector<1x256xf32> to vector<1x256xf32>
    %broadcast_in_dim3A_167 = vector.broadcast %broadcast_in_dim3A_166 : vector<1x256xf32> to vector<8x256xf32>
    %broadcast_in_dim3A_168 = vector.broadcast %jit3A_165 : f32 to vector<8x256xf32>
    %select_n3A_169 = arith.select %eq3A_164, %broadcast_in_dim3A_167, %broadcast_in_dim3A_168 : vector<8x256xi1>, vector<8x256xf32>
    %broadcast_in_dim3A_170 = vector.shape_cast %broadcast_in_dim3A_107 : vector<1x256xf32> to vector<1x256xf32>
    %broadcast_in_dim3A_171 = vector.broadcast %broadcast_in_dim3A_170 : vector<1x256xf32> to vector<8x256xf32>
    %select_n3A_172 = arith.select %eq3A_160, %broadcast_in_dim3A_171, %select_n3A_169 : vector<8x256xi1>, vector<8x256xf32>
    %jit3A_173 = arith.constant 2147483647 : i32
    %broadcast_in_dim3A_174 = vector.shape_cast %broadcast_in_dim3A_146 : vector<1x256xi32> to vector<1x256xi32>
    %broadcast_in_dim3A_175 = vector.broadcast %broadcast_in_dim3A_174 : vector<1x256xi32> to vector<8x256xi32>
    %broadcast_in_dim3A_176 = vector.broadcast %jit3A_173 : i32 to vector<8x256xi32>
    %select_n3A_177 = arith.select %eq3A_164, %broadcast_in_dim3A_175, %broadcast_in_dim3A_176 : vector<8x256xi1>, vector<8x256xi32>
    %broadcast_in_dim3A_178 = vector.shape_cast %broadcast_in_dim3A_116 : vector<1x256xi32> to vector<1x256xi32>
    %broadcast_in_dim3A_179 = vector.broadcast %broadcast_in_dim3A_178 : vector<1x256xi32> to vector<8x256xi32>
    %select_n3A_180 = arith.select %eq3A_160, %broadcast_in_dim3A_179, %select_n3A_177 : vector<8x256xi1>, vector<8x256xi32>
    %jit3A_181 = arith.constant 0 : i32
    %broadcast_in_dim3A_182 = vector.shape_cast %broadcast_in_dim3A_157 : vector<1x256xi32> to vector<1x256xi32>
    %broadcast_in_dim3A_183 = vector.broadcast %broadcast_in_dim3A_182 : vector<1x256xi32> to vector<8x256xi32>
    %broadcast_in_dim3A_184 = vector.broadcast %jit3A_181 : i32 to vector<8x256xi32>
    %select_n3A_185 = arith.select %eq3A_164, %broadcast_in_dim3A_183, %broadcast_in_dim3A_184 : vector<8x256xi1>, vector<8x256xi32>
    %broadcast_in_dim3A_186 = vector.shape_cast %broadcast_in_dim3A_127 : vector<1x256xi32> to vector<1x256xi32>
    %broadcast_in_dim3A_187 = vector.broadcast %broadcast_in_dim3A_186 : vector<1x256xi32> to vector<8x256xi32>
    %select_n3A_188 = arith.select %eq3A_160, %broadcast_in_dim3A_187, %select_n3A_185 : vector<8x256xi1>, vector<8x256xi32>
    %get3A_189 = arith.constant 0 : index
    %get3A_190 = arith.constant 0 : index
    %get3A_191 = vector.load %arg9[%get3A_189, %get3A_190] : memref<8x256xf32, #tpu.memory_space<vmem>>, vector<8x256xf32>
    %gt3A = arith.cmpf ogt, %select_n3A_172, %get3A_191 : vector<8x256xf32>
    %select_n3A_192 = arith.select %gt3A, %select_n3A_172, %get3A_191 : vector<8x256xi1>, vector<8x256xf32>
    %swap3A = arith.constant 0 : index
    %swap3A_193 = arith.constant 0 : index
    %swap3A_194 = vector.load %arg9[%swap3A, %swap3A_193] : memref<8x256xf32, #tpu.memory_space<vmem>>, vector<8x256xf32>
    tpu.vector_store %arg9[%swap3A, %swap3A_193], %select_n3A_192 {strides = array<i32>} : memref<8x256xf32, #tpu.memory_space<vmem>>, vector<8x256xf32>,
    %get3A_195 = arith.constant 0 : index
    %get3A_196 = arith.constant 0 : index
    %get3A_197 = vector.load %arg10[%get3A_195, %get3A_196] : memref<8x256xi32, #tpu.memory_space<vmem>>, vector<8x256xi32>
    %select_n3A_198 = arith.select %gt3A, %select_n3A_180, %get3A_197 : vector<8x256xi1>, vector<8x256xi32>
    %swap3A_199 = arith.constant 0 : index
    %swap3A_200 = arith.constant 0 : index
    %swap3A_201 = vector.load %arg10[%swap3A_199, %swap3A_200] : memref<8x256xi32, #tpu.memory_space<vmem>>, vector<8x256xi32>
    tpu.vector_store %arg10[%swap3A_199, %swap3A_200], %select_n3A_198 {strides = array<i32>} : memref<8x256xi32, #tpu.memory_space<vmem>>, vector<8x256xi32>,
    %get3A_202 = arith.constant 0 : index
    %get3A_203 = arith.constant 0 : index
    %get3A_204 = vector.load %arg11[%get3A_202, %get3A_203] : memref<8x256xi32, #tpu.memory_space<vmem>>, vector<8x256xi32>
    %select_n3A_205 = arith.select %gt3A, %select_n3A_188, %get3A_204 : vector<8x256xi1>, vector<8x256xi32>
    %swap3A_206 = arith.constant 0 : index
    %swap3A_207 = arith.constant 0 : index
    %swap3A_208 = vector.load %arg11[%swap3A_206, %swap3A_207] : memref<8x256xi32, #tpu.memory_space<vmem>>, vector<8x256xi32>
    tpu.vector_store %arg11[%swap3A_206, %swap3A_207], %select_n3A_205 {strides = array<i32>} : memref<8x256xi32, #tpu.memory_space<vmem>>, vector<8x256xi32>,
    return
  }
  func.func @transform_0(%arg0: i32, %arg1: memref<64xi32, #tpu.memory_space<smem>>, %arg2: memref<1xf32, #tpu.memory_space<smem>>) -> (i32, i32) {
    %c0_i32 = arith.constant 0 : i32
    %c0_i32_0 = arith.constant 0 : i32
    return %arg0, %c0_i32 : i32, i32
  }
  func.func @transform_1(%arg0: i32, %arg1: memref<64xi32, #tpu.memory_space<smem>>, %arg2: memref<1xf32, #tpu.memory_space<smem>>) -> (i32, i32) {
    %c0_i32 = arith.constant 0 : i32
    %c0_i32_0 = arith.constant 0 : i32
    return %arg0, %c0_i32 : i32, i32
  }
  func.func @transform_2(%arg0: i32, %arg1: memref<64xi32, #tpu.memory_space<smem>>, %arg2: memref<1xf32, #tpu.memory_space<smem>>) -> (i32, i32, i32) {
    %c0_i32 = arith.constant 0 : i32
    %c0_i32_0 = arith.constant 0 : i32
    %c0_i32_1 = arith.constant 0 : i32
    return %arg0, %c0_i32, %c0_i32_0 : i32, i32, i32
  }
  func.func @transform_3(%arg0: i32, %arg1: memref<64xi32, #tpu.memory_space<smem>>, %arg2: memref<1xf32, #tpu.memory_space<smem>>) -> (i32, i32, i32) {
    %c0_i32 = arith.constant 0 : i32
    %c0_i32_0 = arith.constant 0 : i32
    %c0_i32_1 = arith.constant 0 : i32
    return %arg0, %c0_i32, %c0_i32_0 : i32, i32, i32
  }
  func.func @transform_4(%arg0: i32, %arg1: memref<64xi32, #tpu.memory_space<smem>>, %arg2: memref<1xf32, #tpu.memory_space<smem>>) -> (i32, i32, i32, i32) {
    %get3A = arith.index_cast %arg0 : i32 to index
    %get3A_0 = memref.load %arg1[%get3A] : memref<64xi32, #tpu.memory_space<smem>>
    %c0_i32 = arith.constant 0 : i32
    %c0_i32_1 = arith.constant 0 : i32
    %c0_i32_2 = arith.constant 0 : i32
    %c0_i32_3 = arith.constant 0 : i32
    return %get3A_0, %c0_i32, %c0_i32_1, %c0_i32_2 : i32, i32, i32, i32
  }
  func.func @transform_5(%arg0: i32, %arg1: memref<64xi32, #tpu.memory_space<smem>>, %arg2: memref<1xf32, #tpu.memory_space<smem>>) -> (i32, i32, i32, i32) {
    %get3A = arith.index_cast %arg0 : i32 to index
    %get3A_0 = memref.load %arg1[%get3A] : memref<64xi32, #tpu.memory_space<smem>>
    %add3A = arith.constant 1 : i32
    %add3A_1 = arith.addi %get3A_0, %add3A : i32
    %c0_i32 = arith.constant 0 : i32
    %c0_i32_2 = arith.constant 0 : i32
    %c0_i32_3 = arith.constant 0 : i32
    %c0_i32_4 = arith.constant 0 : i32
    return %add3A_1, %c0_i32, %c0_i32_2, %c0_i32_3 : i32, i32, i32, i32
  }
  func.func @transform_6(%arg0: i32, %arg1: memref<64xi32, #tpu.memory_space<smem>>, %arg2: memref<1xf32, #tpu.memory_space<smem>>) -> (i32, i32) {
    %c0_i32 = arith.constant 0 : i32
    %c0_i32_0 = arith.constant 0 : i32
    %c0_i32_1 = arith.constant 0 : i32
    return %c0_i32, %c0_i32_0 : i32, i32
  }
  func.func @transform_7(%arg0: i32, %arg1: memref<64xi32, #tpu.memory_space<smem>>, %arg2: memref<1xf32, #tpu.memory_space<smem>>) -> (i32, i32) {
    %c0_i32 = arith.constant 0 : i32
    %c0_i32_0 = arith.constant 0 : i32
    %c0_i32_1 = arith.constant 0 : i32
    return %c0_i32, %c0_i32_0 : i32, i32
  }
  func.func @transform_8(%arg0: i32, %arg1: memref<64xi32, #tpu.memory_space<smem>>, %arg2: memref<1xf32, #tpu.memory_space<smem>>) -> (i32, i32) {
    %c0_i32 = arith.constant 0 : i32
    %c0_i32_0 = arith.constant 0 : i32
    %c0_i32_1 = arith.constant 0 : i32
    return %c0_i32, %c0_i32_0 : i32, i32
  }
}

module attributes {stable_mosaic.version = 14 : i64} {
  func.func @_final_body(%arg0: memref<1xi32, #tpu.memory_space<smem>>, %arg1: memref<1xi32, #tpu.memory_space<smem>>, %arg2: memref<1x2048xi32, #tpu.memory_space<vmem>>, %arg3: memref<1x2048xi32, #tpu.memory_space<vmem>>, %arg4: memref<1x2048xi32, #tpu.memory_space<vmem>>, %arg5: memref<1280x512xf32, #tpu.memory_space<vmem>>, %arg6: memref<1280x512xf32, #tpu.memory_space<vmem>>, %arg7: memref<1024x1xi32, #tpu.memory_space<vmem>>, %arg8: memref<1024x1xi32, #tpu.memory_space<vmem>>, %arg9: memref<1024x384xf32, #tpu.memory_space<vmem>>, %arg10: memref<1024x384xf32, #tpu.memory_space<vmem>>) attributes {dimension_semantics = [], scalar_prefetch = 2 : i64, scratch_operands = 0 : i64, tpu.core_type = #tpu.core_type<tc>} {
    %get3A = arith.constant 0 : index
    %get3A_0 = memref.load %arg0[%get3A] : memref<1xi32, #tpu.memory_space<smem>>
    %get3A_1 = arith.constant 0 : index
    %get3A_2 = arith.constant 0 : index
    %get3A_3 = vector.load %arg2[%get3A_1, %get3A_2] : memref<1x2048xi32, #tpu.memory_space<vmem>>, vector<1x2048xi32>
    %iota3A = tpu.iota {dimensions = array<i32: 1>} : vector<1x2048xi32>
    %iota3A_4 = tpu.iota {dimensions = array<i32: 0>} : vector<1024x1xi32>
    %eq3A = vector.broadcast %get3A_3 : vector<1x2048xi32> to vector<1024x2048xi32>
    %eq3A_5 = vector.broadcast %iota3A_4 : vector<1024x1xi32> to vector<1024x2048xi32>
    %eq3A_6 = arith.cmpi eq, %eq3A, %eq3A_5 : vector<1024x2048xi32>
    %lt3A = vector.broadcast %get3A_0 : i32 to vector<1x2048xi32>
    %lt3A_7 = arith.cmpi slt, %iota3A, %lt3A : vector<1x2048xi32>
    %and3A = vector.broadcast %lt3A_7 : vector<1x2048xi1> to vector<1024x2048xi1>
    %and3A_8 = arith.andi %eq3A_6, %and3A : vector<1024x2048xi1>
    %jit3A = arith.constant 1 : i32
    %jit3A_9 = arith.constant 0 : i32
    %broadcast_in_dim3A = vector.broadcast %jit3A : i32 to vector<1024x2048xi32>
    %broadcast_in_dim3A_10 = vector.broadcast %jit3A_9 : i32 to vector<1024x2048xi32>
    %select_n3A = arith.select %and3A_8, %broadcast_in_dim3A, %broadcast_in_dim3A_10 : vector<1024x2048xi1>, vector<1024x2048xi32>
    %reduce_max3A = arith.constant dense<-2147483648> : vector<1024xi32>
    %reduce_max3A_11 = vector.multi_reduction <maxsi>, %select_n3A, %reduce_max3A [1] : vector<1024x2048xi32> to vector<1024xi32>
    %broadcast_in_dim3A_12 = vector.shape_cast %reduce_max3A_11 : vector<1024xi32> to vector<1024x1xi32>
    %gt3A = arith.constant 0 : i32
    %gt3A_13 = vector.broadcast %gt3A : i32 to vector<1024x1xi32>
    %gt3A_14 = arith.cmpi sgt, %broadcast_in_dim3A_12, %gt3A_13 : vector<1024x1xi32>
    %get3A_15 = arith.constant 0 : index
    %get3A_16 = arith.constant 0 : index
    %get3A_17 = vector.load %arg3[%get3A_15, %get3A_16] : memref<1x2048xi32, #tpu.memory_space<vmem>>, vector<1x2048xi32>
    %jit3A_18 = arith.constant 0 : i32
    %broadcast_in_dim3A_19 = vector.shape_cast %get3A_17 : vector<1x2048xi32> to vector<1x2048xi32>
    %broadcast_in_dim3A_20 = vector.broadcast %broadcast_in_dim3A_19 : vector<1x2048xi32> to vector<1024x2048xi32>
    %broadcast_in_dim3A_21 = vector.broadcast %jit3A_18 : i32 to vector<1024x2048xi32>
    %select_n3A_22 = arith.select %and3A_8, %broadcast_in_dim3A_20, %broadcast_in_dim3A_21 : vector<1024x2048xi1>, vector<1024x2048xi32>
    %reduce_sum3A = arith.constant dense<0> : vector<1024xi32>
    %reduce_sum3A_23 = vector.multi_reduction <add>, %select_n3A_22, %reduce_sum3A [1] : vector<1024x2048xi32> to vector<1024xi32>
    %broadcast_in_dim3A_24 = vector.shape_cast %reduce_sum3A_23 : vector<1024xi32> to vector<1024x1xi32>
    %get3A_25 = arith.constant 0 : index
    %get3A_26 = arith.constant 0 : index
    %get3A_27 = vector.load %arg4[%get3A_25, %get3A_26] : memref<1x2048xi32, #tpu.memory_space<vmem>>, vector<1x2048xi32>
    %jit3A_28 = arith.constant 0 : i32
    %broadcast_in_dim3A_29 = vector.shape_cast %get3A_27 : vector<1x2048xi32> to vector<1x2048xi32>
    %broadcast_in_dim3A_30 = vector.broadcast %broadcast_in_dim3A_29 : vector<1x2048xi32> to vector<1024x2048xi32>
    %broadcast_in_dim3A_31 = vector.broadcast %jit3A_28 : i32 to vector<1024x2048xi32>
    %select_n3A_32 = arith.select %and3A_8, %broadcast_in_dim3A_30, %broadcast_in_dim3A_31 : vector<1024x2048xi1>, vector<1024x2048xi32>
    %reduce_sum3A_33 = arith.constant dense<0> : vector<1024xi32>
    %reduce_sum3A_34 = vector.multi_reduction <add>, %select_n3A_32, %reduce_sum3A_33 [1] : vector<1024x2048xi32> to vector<1024xi32>
    %broadcast_in_dim3A_35 = vector.shape_cast %reduce_sum3A_34 : vector<1024xi32> to vector<1024x1xi32>
    %jit3A_36 = arith.constant 0 : i32
    %broadcast_in_dim3A_37 = vector.shape_cast %iota3A : vector<1x2048xi32> to vector<1x2048xi32>
    %broadcast_in_dim3A_38 = vector.broadcast %broadcast_in_dim3A_37 : vector<1x2048xi32> to vector<1024x2048xi32>
    %broadcast_in_dim3A_39 = vector.broadcast %jit3A_36 : i32 to vector<1024x2048xi32>
    %select_n3A_40 = arith.select %and3A_8, %broadcast_in_dim3A_38, %broadcast_in_dim3A_39 : vector<1024x2048xi1>, vector<1024x2048xi32>
    %reduce_sum3A_41 = arith.constant dense<0> : vector<1024xi32>
    %reduce_sum3A_42 = vector.multi_reduction <add>, %select_n3A_40, %reduce_sum3A_41 [1] : vector<1024x2048xi32> to vector<1024xi32>
    %broadcast_in_dim3A_43 = vector.shape_cast %reduce_sum3A_42 : vector<1024xi32> to vector<1024x1xi32>
    %jit3A_44 = arith.constant 2147483647 : i32
    %broadcast_in_dim3A_45 = vector.broadcast %jit3A_44 : i32 to vector<1024x1xi32>
    %select_n3A_46 = arith.select %gt3A_14, %broadcast_in_dim3A_24, %broadcast_in_dim3A_45 : vector<1024x1xi1>, vector<1024x1xi32>
    %swap3A = arith.constant 0 : index
    %swap3A_47 = arith.constant 0 : index
    %swap3A_48 = vector.load %arg7[%swap3A, %swap3A_47] : memref<1024x1xi32, #tpu.memory_space<vmem>>, vector<1024x1xi32>
    tpu.vector_store %arg7[%swap3A, %swap3A_47], %select_n3A_46 {strides = array<i32>} : memref<1024x1xi32, #tpu.memory_space<vmem>>, vector<1024x1xi32>,
    %get3A_49 = arith.constant 0 : index
    %get3A_50 = memref.load %arg1[%get3A_49] : memref<1xi32, #tpu.memory_space<smem>>
    %broadcast_in_dim3A_51 = vector.broadcast %get3A_50 : i32 to vector<1024x1xi32>
    %select_n3A_52 = arith.select %gt3A_14, %broadcast_in_dim3A_35, %broadcast_in_dim3A_51 : vector<1024x1xi1>, vector<1024x1xi32>
    %swap3A_53 = arith.constant 0 : index
    %swap3A_54 = arith.constant 0 : index
    %swap3A_55 = vector.load %arg8[%swap3A_53, %swap3A_54] : memref<1024x1xi32, #tpu.memory_space<vmem>>, vector<1024x1xi32>
    tpu.vector_store %arg8[%swap3A_53, %swap3A_54], %select_n3A_52 {strides = array<i32>} : memref<1024x1xi32, #tpu.memory_space<vmem>>, vector<1024x1xi32>,
    %sub3A = arith.constant 1 : i32
    %sub3A_56 = arith.subi %get3A_0, %sub3A : i32
    %broadcast_in_dim3A_57 = vector.broadcast %sub3A_56 : i32 to vector<1024x1xi32>
    %select_n3A_58 = arith.select %gt3A_14, %broadcast_in_dim3A_43, %broadcast_in_dim3A_57 : vector<1024x1xi1>, vector<1024x1xi32>
    %iota3A_59 = tpu.iota {dimensions = array<i32: 1>} : vector<1x1280xi32>
    %eq3A_60 = vector.broadcast %select_n3A_58 : vector<1024x1xi32> to vector<1024x1280xi32>
    %eq3A_61 = vector.broadcast %iota3A_59 : vector<1x1280xi32> to vector<1024x1280xi32>
    %eq3A_62 = arith.cmpi eq, %eq3A_60, %eq3A_61 : vector<1024x1280xi32>
    %convert_element_type3A = arith.extui %eq3A_62 : vector<1024x1280xi1> to vector<1024x1280xi32>
    %convert_element_type3A_63 = arith.sitofp %convert_element_type3A : vector<1024x1280xi32> to vector<1024x1280xf32>
    %get3A_64 = arith.constant 0 : index
    %get3A_65 = arith.constant 0 : index
    %get3A_66 = vector.load %arg5[%get3A_64, %get3A_65] : memref<1280x512xf32, #tpu.memory_space<vmem>>, vector<1280x384xf32>
    %dot_general3A = arith.constant dense<0.000000e+00> : vector<1024x384xf32>
    %dot_general3A_67 = tpu.matmul %convert_element_type3A_63, %get3A_66, %dot_general3A {dimension_numbers = #tpu.dot_dimension_numbers<[1], [0], [0], [1], [0, 0, 1, 1], [], []>, precision = #tpu.contract_precision<fp32>, transpose_lhs_hint = false} : vector<1024x1280xf32>, vector<1280x384xf32>, vector<1024x384xf32> -> vector<1024x384xf32>
    %swap3A_68 = arith.constant 0 : index
    %swap3A_69 = arith.constant 0 : index
    %swap3A_70 = vector.load %arg9[%swap3A_68, %swap3A_69] : memref<1024x384xf32, #tpu.memory_space<vmem>>, vector<1024x384xf32>
    tpu.vector_store %arg9[%swap3A_68, %swap3A_69], %dot_general3A_67 {strides = array<i32>} : memref<1024x384xf32, #tpu.memory_space<vmem>>, vector<1024x384xf32>,
    %get3A_71 = arith.constant 0 : index
    %get3A_72 = arith.constant 0 : index
    %get3A_73 = vector.load %arg6[%get3A_71, %get3A_72] : memref<1280x512xf32, #tpu.memory_space<vmem>>, vector<1280x384xf32>
    %dot_general3A_74 = arith.constant dense<0.000000e+00> : vector<1024x384xf32>
    %dot_general3A_75 = tpu.matmul %convert_element_type3A_63, %get3A_73, %dot_general3A_74 {dimension_numbers = #tpu.dot_dimension_numbers<[1], [0], [0], [1], [0, 0, 1, 1], [], []>, precision = #tpu.contract_precision<fp32>, transpose_lhs_hint = false} : vector<1024x1280xf32>, vector<1280x384xf32>, vector<1024x384xf32> -> vector<1024x384xf32>
    %swap3A_76 = arith.constant 0 : index
    %swap3A_77 = arith.constant 0 : index
    %swap3A_78 = vector.load %arg10[%swap3A_76, %swap3A_77] : memref<1024x384xf32, #tpu.memory_space<vmem>>, vector<1024x384xf32>
    tpu.vector_store %arg10[%swap3A_76, %swap3A_77], %dot_general3A_75 {strides = array<i32>} : memref<1024x384xf32, #tpu.memory_space<vmem>>, vector<1024x384xf32>,
    return
  }
}

</mosaic_0001>

<sc_bundles>
// kernel: gather_offload_async_start
scs
__scs_entry_jumppad:
0x0: {  	(pc) =	sbr.rel $0x88, $3  }
0x1: {  	(tag) =	ssettag $0x0;
	lr =	simm.s32 $0x1  }
0x2: {  	[smem:$0x3F99] =	sst lr;
	_ =	strace $0xD0000000  }
0x3: {  	_ = 	snop  }
0x4: {  	_ = 	snop  }
0x5: {  	_ = 	snop  }
0x6: {  	_ = 	snop  }
0x7: {  	_ = 	snop  }
__scs_overlays_trampoline_lowered:
0x8: {  	[smem:$0x3FA8] =	sst s0  }
0x9: {  	[smem:$0x3FA9] =	sst s1  }
0xa: {  	[smem:$0x3FAA] =	sst s2  }
0xb: {  	[smem:$0x3FAB] =	sst s3  }
0xc: {  	[smem:$0x3FAC] =	sst s4  }
0xd: {  	[smem:$0x3FAD] =	sst s5  }
0xe: {  	[smem:$0x3FAE] =	sst s6  }
0xf: {  	[smem:$0x3FAF] =	sst s7  }
0x10: {  	[smem:$0x3FB0] =	sst s8  }
0x11: {  	[smem:$0x3FB1] =	sst s9;
	s0 =	simm.s32 @!p0 $0x0  }
0x12: {  	s1 =	sld [smem:$0x3F97];
	s0 =	simm.s32 @p0 $0x1  }
0x13: {  	[smem:$0x3FB2] =	sst s0;
	s0 =	simm.s32 @!p1 $0x0  }
0x14: {  	s2 =	sld [smem:$0x3F96];
	s0 =	simm.s32 @p1 $0x1  }
0x15: {  	[smem:$0x3FB3] =	sst s0;
	s0 =	simm.s32 @!p2 $0x0  }
0x16: {  	s3 =	sld [smem:$0x3FDB];
	s0 =	simm.s32 @p2 $0x1  }
0x17: {  	s4 =	simm.s32 $0x1BF5;
	[smem:$0x3FB5] =	sst s0  }
0x18: {  	s0 =	sld [smem:$0x3F98];
	_ =	swait.ge [sflag:s4], $0x0  }
0x19: {  	s7 =	sld [smem:$0x3F99]  }
0x1a: {  	s8 =	sadd.s32 $0xFFFFE003, lr  }
0x1b: {  	s9 =	sadd.s32 $0xFFFFFEF7, lr;
	s5 =	simm.s32 $0xFFFFFFFF;
	p2 =	slt.u32 s8, $0xFFFFF086  }
0x1c: {  	p1 =	slt.u32 s9, $0xF7A;
	s5 =	simm.s32 @!p2 $0x0  }
0x1d: {  	s5 =	simm.s32 @p1 $0x1;
	p0 =	seq.s32 s7, s2  }
0x1e: {  	s7 =	smul.u32 @!p0 $0xF7A, s2;
	p2 =	seq.s32 @!p0 s5, $0x0  }
0x1f: {  	s9 =	smul.u32 $0xF7A, s1;
	s8 =	simm.s32 @!p0 $0x1BF5;
	p2 =	por !p2, p0  }
0x20: {  	[sflag:s8] =	ssyncset.s32 @!p0 $0xFFFFF086;
	s6 =	sadd.s32 @!p0 s3, s7;
	s7 =	simm.s32 @!p0 $0x108  }
0x21: {  	s3 =	sadd.s32 s3, s9;
	s6 =	sadd.s32 @!p0 $0x88, s6;
	s7 =	simm.s32 @p2 $0x1082  }
0x22: {  	[simem:s7], [sflag:s8] =	dma.local @!p0 [hbm:s6], $0xF7A  }
0x23: {  	s9 =	sor.u32 $0xD0000000, s2;
	s6 =	simm.s32 $0x108;
	_ =	swait.ge @!p0 [sflag:s8], $0x0  }
0x24: {  	s3 =	sadd.s32 $0x88, s3;
	s6 =	simm.s32 @!p1 $0x1082;
	[sflag:s4] =	ssyncset.s32 $0xFFFFF086  }
0x25: {  	[simem:s6], [sflag:s4] =	dma.local [hbm:s3], $0xF7A  }
0x26: {  	[smem:$0x3F99] =	sst s1;
	(tag) =	ssettag s2;
	_ =	strace s9  }
0x27: {  	s1 =	sld [smem:$0x3FA9]  }
0x28: {  	s2 =	sld [smem:$0x3FAA]  }
0x29: {  	s4 =	sld [smem:$0x3FAC]  }
0x2a: {  	p0 =	seq.s32 s5, $0x0;
	s5 =	sld [smem:$0x3FAD]  }
0x2b: {  	s6 =	sld [smem:$0x3FAE]  }
0x2c: {  	s7 =	sld [smem:$0x3FAF]  }
0x2d: {  	s3 =	simm.s32 $0x108;
	s8 =	sld [smem:$0x3FB0]  }
0x2e: {  	s3 =	simm.s32 @!p0 $0x1082;
	s9 =	sld [smem:$0x3FB1]  }
0x2f: {  	lr =	sadd.s32 s0, s3;
	s0 =	sld [smem:$0x3FA8]  }
0x30: {  	s3 =	sld [smem:$0x3FAB]  }
0x31: {  	[smem:$0x3FB4] =	sst s10  }
0x32: {  	s10 =	sld [smem:$0x3FB2];
	_ =	sdelay $0x3  }
0x33: {  	p0 =	seq.s32 s10, $0x1;
	s10 =	sld [smem:$0x3FB4];
	_ =	sdelay $0x3  }
0x34: {  	[smem:$0x3FB4] =	sst s10  }
0x35: {  	s10 =	sld [smem:$0x3FB3];
	_ =	sdelay $0x3  }
0x36: {  	p1 =	seq.s32 s10, $0x1;
	s10 =	sld [smem:$0x3FB4];
	_ =	sdelay $0x3  }
0x37: {  	[smem:$0x3FB4] =	sst s10  }
0x38: {  	s10 =	sld [smem:$0x3FB5]  }
0x39: {  	_ = 	snop;
	(pc) =	sbr.ind lr, $3  }
0x3a: {  	_ = 	snop  }
0x3b: {  	_ = 	snop  }
0x3c: {  	p2 =	seq.s32 s10, $0x1;
	s10 =	sld [smem:$0x3FB4]  }
0x3d: {  	_ =	shalt  }
0x3e: {  	_ =	shalt  }
0x3f: {  	_ =	shalt  }
0x40: {  	_ =	shalt  }
0x41: {  	_ =	shalt  }
0x42: {  	_ =	shalt  }
0x43: {  	_ =	shalt  }
0x44: {  	_ =	shalt  }
0x45: {  	_ =	shalt  }
0x46: {  	_ =	shalt  }
0x47: {  	_ =	shalt  }
0x48: {  	_ =	shalt  }
0x49: {  	_ =	shalt  }
0x4a: {  	_ =	shalt  }
0x4b: {  	_ =	shalt  }
0x4c: {  	_ =	shalt  }
0x4d: {  	_ =	shalt  }
0x4e: {  	_ =	shalt  }
0x4f: {  	_ =	shalt  }
0x50: {  	_ =	shalt  }
0x51: {  	_ =	shalt  }
0x52: {  	_ =	shalt  }
0x53: {  	_ =	shalt  }
0x54: {  	_ =	shalt  }
0x55: {  	_ =	shalt  }
0x56: {  	_ =	shalt  }
0x57: {  	_ =	shalt  }
0x58: {  	_ =	shalt  }
0x59: {  	_ =	shalt  }
0x5a: {  	_ =	shalt  }
0x5b: {  	_ =	shalt  }
0x5c: {  	_ =	shalt  }
0x5d: {  	_ =	shalt  }
0x5e: {  	_ =	shalt  }
0x5f: {  	_ =	shalt  }
0x60: {  	_ =	shalt  }
0x61: {  	_ =	shalt  }
0x62: {  	_ =	shalt  }
0x63: {  	_ =	shalt  }
0x64: {  	_ =	shalt  }
0x65: {  	_ =	shalt  }
0x66: {  	_ =	shalt  }
0x67: {  	_ =	shalt  }
0x68: {  	_ =	shalt  }
0x69: {  	_ =	shalt  }
0x6a: {  	_ =	shalt  }
0x6b: {  	_ =	shalt  }
0x6c: {  	_ =	shalt  }
0x6d: {  	_ =	shalt  }
0x6e: {  	_ =	shalt  }
0x6f: {  	_ =	shalt  }
0x70: {  	_ =	shalt  }
0x71: {  	_ =	shalt  }
0x72: {  	_ =	shalt  }
0x73: {  	_ =	shalt  }
0x74: {  	_ =	shalt  }
0x75: {  	_ =	shalt  }
0x76: {  	_ =	shalt  }
0x77: {  	_ =	shalt  }
0x78: {  	_ =	shalt  }
0x79: {  	_ =	shalt  }
0x7a: {  	_ =	shalt  }
0x7b: {  	_ =	shalt  }
0x7c: {  	_ =	shalt  }
0x7d: {  	_ =	shalt  }
0x7e: {  	_ =	shalt  }
0x7f: {  	_ =	shalt  }
0x80: {  	_ =	shalt  }
0x81: {  	_ =	shalt  }
0x82: {  	_ =	shalt  }
0x83: {  	_ =	shalt  }
0x84: {  	_ =	shalt  }
0x85: {  	_ =	shalt  }
0x86: {  	_ =	shalt  }
0x87: {  	_ =	shalt  }
.Lfunc_end0:
.L_simem_size_0:
called_computation_lowered:
.L_overlay_start_0:
0x88: {  	s2 =	sld [smem:$0x3FD9]  }
0x89: {  	s3 =	sld [smem:$0x3FFE];
	_ =	sdelay $0x1  }
0x8a: {  	s1 =	srdreg.scid  }
0x8b: {  	s0 =	sand.u32 $0x1, s1  }
0x8c: {  	s17 =	sshll.u32 s0, $0xA;
	s2 =	sadd.s32 s3, s2  }
0x8d: {  	s2 =	sadd.s32 s2, s17  }
0x8e: {  	[smem:$0x3FC0] =	sst s2  }
0x8f: {  	_ = 	snop  }
0x90: {  	s2 =	sld [smem:$0x3FC5];
	(tm) =	ssettm $0x1  }
0x91: {  	s18 =	sld [smem:$0x3FFB];
	_ =	sdelay $0x3  }
0x92: {  	_ =	strace s18  }
0x93: {  	s3 =	sld [smem:$0x3FFC];
	_ =	sdelay $0x3  }
0x94: {  	_ =	strace s3  }
0x95: {  	s3 =	sld [smem:$0x3FFD];
	_ =	sdelay $0x3  }
0x96: {  	_ =	strace s3  }
0x97: {  	_ =	strace $0x8FFFFFFF  }
0x98: {  	s19 =	sld [smem:$0x3FDB];
	_ =	sdelay $0x1  }
0x99: {  	s4 =	simm.s32 $_scs_section_size  }
0x9a: {  	s5 =	simm.s32 $_size__tile_overlayer_lowered;
	s6 =	simm.s32 $_tile_overlayer_lowered  }
0x9b: {  	s22 =	simm.s32 $0x1BFF;
	s21 =	sshll.u32 s6, $0x1;
	s3 =	sadd.s32 s4, s19  }
0x9c: {  	s7 =	simm.s32 $0x0;
	s20 =	sshll.u32 s5, $0x1;
	s5 =	sadd.s32 s21, s3  }
0x9d: {  	[timem:s7], [sflag:s22] =	dma.local [hbm:s5], s20  }
0x9e: {  	_ =	swait.ge [sflag:s22], s20  }
0x9f: {  	s4 =	ssub.s32 $0x0, s20;
	[sflag:s22] =	ssyncset.done $0x0  }
0xa0: {  	[sflag:s22] =	ssyncadd.s32 s4;
	_ =	sdelay $0x1  }
0xa1: {  	s23 =	simm.s32 $0x1B8B  }
0xa2: {  	_ =	swait.ge [sflag:s23], $0x1  }
0xa3: {  	[sflag:s23] =	ssyncset.done $0x0  }
0xa4: {  	s25 =	simm.s32 $0x1B8E;
	s24 =	sld [smem:$0x3FFE];
	[sflag:s23] =	ssyncadd.s32 $0xFFFFFFFF  }
0xa5: {  	s26 =	simm.s32 $execute0_lowered;
	[smem:$0x3FD2] =	sst s25  }
0xa6: {  	s5 =	sshll.u32 s26, $0x1;
	_ =	strace $0x80000046;
	[dreg:$0x1] =	wrdreg $0xFFFFFFFF  }
0xa7: {  	s28 =	simm.s32 $_size_execute0_lowered;
	s3 =	sadd.s32 s3, s5;
	[dreg:$0x0] =	wrdreg $0x0  }
0xa8: {  	s5 =	sshll.u32 s28, $0x1;
	[dreg:$0x2] =	wrdreg s3  }
0xa9: {  	[dreg:$0x3] =	wrdreg s5  }
0xaa: {  	[dreg:$0x4] =	wrdreg $0xC0  }
0xab: {  	_ =	task [dreg:s7], $0x5FFFF  }
0xac: {  	[dreg:$0x1] =	wrdreg $0xFFFFFFFF  }
0xad: {  	[dreg:$0x0] =	wrdreg $0x60  }
0xae: {  	[dreg:$0x2] =	wrdreg s2  }
0xaf: {  	[dreg:$0x3] =	wrdreg s24  }
0xb0: {  	[dreg:$0x4] =	wrdreg $0x9  }
0xb1: {  	_ =	task.clear_ibuf [dreg:s7], $0x5FFFF;
	_ =	strace $0x90000046  }
0xb2: {  	s29 =	simm.s32 $0x9;
	_ =	strace $0x80000048  }
0xb3: {  	_ =	swait.ge [sflag:s29], $0x1  }
0xb4: {  	[sflag:s29] =	ssyncadd.s32 $0xFFFFFFFF  }
0xb5: {  	_ =	strace $0x90000048  }
0xb6: {  	_ =	sfence  }
0xb7: {  	s30 =	sld [smem:$0x0];
	_ =	sdelay $0x2  }
0xb8: {  	s31 =	sshll.u32 s1, $0xD;
	s1 =	sshrl.u32 s1, $0x2  }
0xb9: {  	s3 =	sand.u32 $0x4000, s31;
	s1 =	sadd.s32 s1, s30  }
0xba: {  	s0 =	sor.u32 s3, s0;
	s1 =	sshll.u32 s1, $0x11  }
0xbb: {  	s0 =	sor.u32 s1, s0  }
0xbc: {  	s0 =	sadd.s32 $0x8F2B, s0  }
0xbd: {  	[sflag:s0] =	ssyncadd.remote.s32 $0x1  }
0xbe: {  	_ =	sfence.sel $0xFFFF  }
0xbf: {  	[dreg:$0x0] =	wrdreg $0xFFFFFFFF;
	(pc) =	sbr.abs _section_cstart, $3  }
0xc0: {  	[dreg:$0x1] =	wrdreg $0xFFFFFFFF  }
0xc1: {  	_ =	task.clear_ibuf [dreg:s7], $0x2FFFF;
	_ =	strace $0x9FFFFFFF  }
0xc2: {  	(tm) =	ssettm $0x7FFFFFFF  }
0xc3: {  	_ =	shalt  }
tec
execute0_lowered:
.L_overlay_start_1:
0x0: {  	(tag) =	ssettag $0x1  }
0x1: {  	s1 =	srdreg.scid;
	s2 =	rddreg [dreg:$0x0]  }
0x2: {  	s0 =	stileid.u32;
	s6 =	rddreg [dreg:$0x1];
	s1 =	sshll.u32 s1, $0x5  }
0x3: {  	s7 =	simm.s32 $0x1;
	s3 =	sshll.u32 s0, $0x6;
	s1 =	sand.u32 $0x20, s1  }
0x4: {  	s30 =	simm.s32 $0x2;
	s31 =	simm.s32 $0x3;
	s3 =	sor.u32 s3, s1  }
0x5: {  	s11 =	simm.s32 $0x0;
	s9 =	simm.s32 $0x0;
	s5 =	ssub.s32 $0x500, s3  }
0x6: {  	s4 =	sadd.s32 $0x800, s6;
	s6 =	sadd.s32 $0xA00, s6;
	s8 =	sand.u32 $0x3E0, s5  }
0x7: {  	s1 =	rddreg [dreg:$0x2];
	_ =	strace $0x80000047;
	p0 =	sne.s32 s8, $0x0  }
0x8: {  	[sflag:s7] =	ssyncpa.u1 $0x0;
	s5 =	sshrl.u32 s5, $0xA;
	s7 =	simm.s32 @!p0 $0x0  }
0x9: {  	s10 =	smov.u32 s3;
	[sflag:s30] =	ssyncpa.u1 $0x0;
	s5 =	sadd.s32 s7, s5  }
0xa: {  	[sflag:s31] =	ssyncpa.u1 $0x0;
	s8 =	simm.s32 $0x0;
	s7 =	sadd.s32 $0x1, s5  }
.LBB2_1:
0xb: {  	p0 =	sge.u32 s9, s5  }
0xc: {  	s31 =	sadd.s32 $0xFFFFFFFF, s9;
	s12 =	sxor.u32 @!p0 $0xFFFFFFFF, s8;
	s13 =	sshrl.u32 @!p0 s10, $0x3  }
0xd: {  	s14 =	sand.u32 @!p0 $0x7, s10;
	s12 =	sand.u32 @!p0 $0x20, s12;
	s13 =	sadd.s32 @!p0 s4, s13  }
0xe: {  	[tilespmem:s12], [sflag:$0x2] =	stream.linear.gather @!p0 [hbm4b:s13+s14], $0x20, $0x38;
	[tilespmem:$0x80] =	vst v63  }
0xf: {  	p0 =	sge.u32 s31, s5  }
0x10: {  	s12 =	simm.s32 @!p0 $0x2  }
0x11: {  	_ =	swait.ge @!p0 [sflag:s12], $0x20  }
0x12: {  	[sflag:s12] =	ssyncset.done @!p0 $0x0  }
0x13: {  	[sflag:s12] =	ssyncadd.s32 @!p0 $0xFFFFFFE0;
	s12 =	sand.u32 @!p0 $0x20, s8  }
0x14: {  	(ifvalue) =	ssetifvalue @!p0 $0x7FFFFFFF;
	v0 =	vld.msk @!p0 [tilespmem:s12+$0x0 ss:$0x1], $0xffff;
	_ =	sdelay $0x4  }
0x15: {  	vm0 =	vgt.s32 @!p0 v0, $0x0  }
0x16: {  	v0 =	vnsel @!p0 vm0, $0x0, v0  }
0x17: {  	v0 =	vmin.u32 @!p0 v0, $0x3FF;
	_ =	sdelay $0x2  }
0x18: {  	s14 =	simm.s32 @!p0 $0x0  }
0x19: {  	s13 =	sor.u32 @!p0 $0x40, s12;
	(ifvalue) =	ssetifvalue @!p0 $0x7FFFFFFF;
	s15 =	sor.u32 @!p0 $0x10, s12;
	vm0 =	vmmov @!p0 $0xffff  }
0x1a: {  	[tilespmem:s13], [sflag:$0x1] =	stream.indirect_vreg.gather @!p0 [hbm4b:s2+s14], $0x1, v0, vm0, $0x4038;
	[tilespmem:$0x80] =	vst v63  }
0x1b: {  	v0 =	vld.msk @!p0 [tilespmem:s15+$0x0 ss:$0x1], $0xffff;
	_ =	sdelay $0x4  }
0x1c: {  	vm1 =	vgt.s32 @!p0 v0, $0x0  }
0x1d: {  	v0 =	vnsel @!p0 vm1, $0x0, v0  }
0x1e: {  	v0 =	vmin.u32 @!p0 v0, $0x3FF;
	_ =	sdelay $0x3  }
0x1f: {  	s12 =	sor.u32 @!p0 $0x50, s12;
	(ifvalue) =	ssetifvalue @!p0 $0x7FFFFFFF  }
0x20: {  	[tilespmem:s12], [sflag:$0x1] =	stream.indirect_vreg.gather @!p0 [hbm4b:s2+s14], $0x1, v0, vm0, $0x4038;
	[tilespmem:$0x80] =	vst v63  }
0x21: {  	s12 =	simm.s32 @!p0 $0x1  }
0x22: {  	_ =	swait.ge @!p0 [sflag:s12], $0x20  }
0x23: {  	s14 =	sshrl.u32 @!p0 s11, $0x3;
	[sflag:s12] =	ssyncset.done @!p0 $0x0  }
0x24: {  	s11 =	sand.u32 @!p0 $0x7, s11;
	[sflag:s12] =	ssyncadd.s32 @!p0 $0xFFFFFFE0;
	s12 =	sadd.s32 @!p0 s6, s14  }
0x25: {  	[hbm4b:s12+s11] =	stream.linear.scatter @!p0 [tilespmem:s13], [sflag:$0x3], $0x20, $0x38;
	[tilespmem:$0x80] =	vst v63  }
0x26: {  	s13 =	sadd.s32 $0x400, s10  }
0x27: {  	p1 =	sgt.s32 s13, $0x4FF  }
0x28: {  	s13 =	smov.u32 @p1 s3;
	p1 =	sne.s32 s9, s7  }
.Ltmp0:
0x29: {  	p0 =	slt.u32 s9, $0x2;
	(pc) =	sbr.rel @p1 .LBB2_1-.Ltmp0, $4  }
0x2a: {  	s12 =	simm.s32 @!p0 $0x3  }
0x2b: {  	_ =	swait.ge @!p0 [sflag:s12], $0x20  }
0x2c: {  	s8 =	sadd.s32 $0x20, s8;
	s11 =	smov.u32 s10;
	[sflag:s12] =	ssyncset.done @!p0 $0x0  }
0x2d: {  	s9 =	sadd.s32 $0x1, s9;
	s10 =	smov.u32 s13;
	[sflag:s12] =	ssyncadd.s32 @!p0 $0xFFFFFFE0  }
0x2e: {  	_ =	sfence.sel $0x180000  }
0x2f: {  	s2 =	simm.s32 $0x2;
	[bflag:$0x0] =	sbarrier.arrive $0xFFFF  }
0x30: {  	s30 =	simm.s32 $0x3;
	[sflag:s2] =	ssyncpa.u1 $0x1  }
0x31: {  	s31 =	simm.s32 $0x1;
	[sflag:s30] =	ssyncpa.u1 $0x1  }
0x32: {  	[sflag:s31] =	ssyncpa.u1 $0x1  }
0x33: {  	p0 =	sne.s32 s0, $0x0;
	_ =	strace $0x90000047  }
0x34: {  	s0 =	sadd.s32 @!p0 $0x100000, s1;
	[bflag:$0x2] =	sbarrier.arrive $0xFFFF  }
0x35: {  	[sflag:s0] =	ssyncadd.tile.s32 @!p0 $0x1;
	_ =	shalt  }
.Lfunc_end2:
_tile_overlayer_lowered:
.L_overlay_start_2:
0x36: {  	(tag) =	ssettag $0x2  }
0x37: {  	s0 =	rddreg [dreg:$0x0];
	s2 =	stileid.u32  }
0x38: {  	s1 =	rddreg [dreg:$0x1];
	p0 =	sne.s32 s2, $0x0  }
0x39: {  	s3 =	rddreg [dreg:$0x2];
	[bflag:$0x3] =	sbarrier.arrive $0xFFFF;
	s2 =	simm.s32 @!p0 $0x1C01  }
0x3a: {  	[timem:s3], [sflag:s2] =	dma.local @!p0 [hbm:s0], s1  }
0x3b: {  	s0 =	simm.s32 @!p0 $0x1  }
0x3c: {  	_ =	swait.ge @!p0 [sflag:s0], s1  }
0x3d: {  	s1 =	ssub.s32 @!p0 $0x0, s1;
	[sflag:s0] =	ssyncset.done @!p0 $0x0  }
0x3e: {  	[sflag:s0] =	ssyncadd.s32 @!p0 s1  }
0x3f: {  	[bflag:$0x3] =	sbarrier.arrive $0xFFFF  }
0x40: {  	_ =	shalt  }

// kernel: kernel.6.cloned.1.call-start
scs
__scs_entry_jumppad:
0x0: {  	(pc) =	sbr.rel $0x88, $3  }
0x1: {  	(tag) =	ssettag $0x0;
	lr =	simm.s32 $0x1  }
0x2: {  	[smem:$0x3F99] =	sst lr;
	_ =	strace $0xD0000000  }
0x3: {  	_ = 	snop  }
0x4: {  	_ = 	snop  }
0x5: {  	_ = 	snop  }
0x6: {  	_ = 	snop  }
0x7: {  	_ = 	snop  }
__scs_overlays_trampoline_lowered:
0x8: {  	[smem:$0x3FA8] =	sst s0  }
0x9: {  	[smem:$0x3FA9] =	sst s1  }
0xa: {  	[smem:$0x3FAA] =	sst s2  }
0xb: {  	[smem:$0x3FAB] =	sst s3  }
0xc: {  	[smem:$0x3FAC] =	sst s4  }
0xd: {  	[smem:$0x3FAD] =	sst s5  }
0xe: {  	[smem:$0x3FAE] =	sst s6  }
0xf: {  	[smem:$0x3FAF] =	sst s7  }
0x10: {  	[smem:$0x3FB0] =	sst s8  }
0x11: {  	[smem:$0x3FB1] =	sst s9;
	s0 =	simm.s32 @!p0 $0x0  }
0x12: {  	s1 =	sld [smem:$0x3F97];
	s0 =	simm.s32 @p0 $0x1  }
0x13: {  	[smem:$0x3FB2] =	sst s0;
	s0 =	simm.s32 @!p1 $0x0  }
0x14: {  	s2 =	sld [smem:$0x3F96];
	s0 =	simm.s32 @p1 $0x1  }
0x15: {  	[smem:$0x3FB3] =	sst s0;
	s0 =	simm.s32 @!p2 $0x0  }
0x16: {  	s3 =	sld [smem:$0x3FDB];
	s0 =	simm.s32 @p2 $0x1  }
0x17: {  	s4 =	simm.s32 $0x1BF5;
	[smem:$0x3FB5] =	sst s0  }
0x18: {  	s0 =	sld [smem:$0x3F98];
	_ =	swait.ge [sflag:s4], $0x0  }
0x19: {  	s7 =	sld [smem:$0x3F99]  }
0x1a: {  	s8 =	sadd.s32 $0xFFFFE003, lr  }
0x1b: {  	s9 =	sadd.s32 $0xFFFFFEF7, lr;
	s5 =	simm.s32 $0xFFFFFFFF;
	p2 =	slt.u32 s8, $0xFFFFF086  }
0x1c: {  	p1 =	slt.u32 s9, $0xF7A;
	s5 =	simm.s32 @!p2 $0x0  }
0x1d: {  	s5 =	simm.s32 @p1 $0x1;
	p0 =	seq.s32 s7, s2  }
0x1e: {  	s7 =	smul.u32 @!p0 $0xF7A, s2;
	p2 =	seq.s32 @!p0 s5, $0x0  }
0x1f: {  	s9 =	smul.u32 $0xF7A, s1;
	s8 =	simm.s32 @!p0 $0x1BF5;
	p2 =	por !p2, p0  }
0x20: {  	[sflag:s8] =	ssyncset.s32 @!p0 $0xFFFFF086;
	s6 =	sadd.s32 @!p0 s3, s7;
	s7 =	simm.s32 @!p0 $0x108  }
0x21: {  	s3 =	sadd.s32 s3, s9;
	s6 =	sadd.s32 @!p0 $0x88, s6;
	s7 =	simm.s32 @p2 $0x1082  }
0x22: {  	[simem:s7], [sflag:s8] =	dma.local @!p0 [hbm:s6], $0xF7A  }
0x23: {  	s9 =	sor.u32 $0xD0000000, s2;
	s6 =	simm.s32 $0x108;
	_ =	swait.ge @!p0 [sflag:s8], $0x0  }
0x24: {  	s3 =	sadd.s32 $0x88, s3;
	s6 =	simm.s32 @!p1 $0x1082;
	[sflag:s4] =	ssyncset.s32 $0xFFFFF086  }
0x25: {  	[simem:s6], [sflag:s4] =	dma.local [hbm:s3], $0xF7A  }
0x26: {  	[smem:$0x3F99] =	sst s1;
	(tag) =	ssettag s2;
	_ =	strace s9  }
0x27: {  	s1 =	sld [smem:$0x3FA9]  }
0x28: {  	s2 =	sld [smem:$0x3FAA]  }
0x29: {  	s4 =	sld [smem:$0x3FAC]  }
0x2a: {  	p0 =	seq.s32 s5, $0x0;
	s5 =	sld [smem:$0x3FAD]  }
0x2b: {  	s6 =	sld [smem:$0x3FAE]  }
0x2c: {  	s7 =	sld [smem:$0x3FAF]  }
0x2d: {  	s3 =	simm.s32 $0x108;
	s8 =	sld [smem:$0x3FB0]  }
0x2e: {  	s3 =	simm.s32 @!p0 $0x1082;
	s9 =	sld [smem:$0x3FB1]  }
0x2f: {  	lr =	sadd.s32 s0, s3;
	s0 =	sld [smem:$0x3FA8]  }
0x30: {  	s3 =	sld [smem:$0x3FAB]  }
0x31: {  	[smem:$0x3FB4] =	sst s10  }
0x32: {  	s10 =	sld [smem:$0x3FB2];
	_ =	sdelay $0x3  }
0x33: {  	p0 =	seq.s32 s10, $0x1;
	s10 =	sld [smem:$0x3FB4];
	_ =	sdelay $0x3  }
0x34: {  	[smem:$0x3FB4] =	sst s10  }
0x35: {  	s10 =	sld [smem:$0x3FB3];
	_ =	sdelay $0x3  }
0x36: {  	p1 =	seq.s32 s10, $0x1;
	s10 =	sld [smem:$0x3FB4];
	_ =	sdelay $0x3  }
0x37: {  	[smem:$0x3FB4] =	sst s10  }
0x38: {  	s10 =	sld [smem:$0x3FB5]  }
0x39: {  	_ = 	snop;
	(pc) =	sbr.ind lr, $3  }
0x3a: {  	_ = 	snop  }
0x3b: {  	_ = 	snop  }
0x3c: {  	p2 =	seq.s32 s10, $0x1;
	s10 =	sld [smem:$0x3FB4]  }
0x3d: {  	_ =	shalt  }
0x3e: {  	_ =	shalt  }
0x3f: {  	_ =	shalt  }
0x40: {  	_ =	shalt  }
0x41: {  	_ =	shalt  }
0x42: {  	_ =	shalt  }
0x43: {  	_ =	shalt  }
0x44: {  	_ =	shalt  }
0x45: {  	_ =	shalt  }
0x46: {  	_ =	shalt  }
0x47: {  	_ =	shalt  }
0x48: {  	_ =	shalt  }
0x49: {  	_ =	shalt  }
0x4a: {  	_ =	shalt  }
0x4b: {  	_ =	shalt  }
0x4c: {  	_ =	shalt  }
0x4d: {  	_ =	shalt  }
0x4e: {  	_ =	shalt  }
0x4f: {  	_ =	shalt  }
0x50: {  	_ =	shalt  }
0x51: {  	_ =	shalt  }
0x52: {  	_ =	shalt  }
0x53: {  	_ =	shalt  }
0x54: {  	_ =	shalt  }
0x55: {  	_ =	shalt  }
0x56: {  	_ =	shalt  }
0x57: {  	_ =	shalt  }
0x58: {  	_ =	shalt  }
0x59: {  	_ =	shalt  }
0x5a: {  	_ =	shalt  }
0x5b: {  	_ =	shalt  }
0x5c: {  	_ =	shalt  }
0x5d: {  	_ =	shalt  }
0x5e: {  	_ =	shalt  }
0x5f: {  	_ =	shalt  }
0x60: {  	_ =	shalt  }
0x61: {  	_ =	shalt  }
0x62: {  	_ =	shalt  }
0x63: {  	_ =	shalt  }
0x64: {  	_ =	shalt  }
0x65: {  	_ =	shalt  }
0x66: {  	_ =	shalt  }
0x67: {  	_ =	shalt  }
0x68: {  	_ =	shalt  }
0x69: {  	_ =	shalt  }
0x6a: {  	_ =	shalt  }
0x6b: {  	_ =	shalt  }
0x6c: {  	_ =	shalt  }
0x6d: {  	_ =	shalt  }
0x6e: {  	_ =	shalt  }
0x6f: {  	_ =	shalt  }
0x70: {  	_ =	shalt  }
0x71: {  	_ =	shalt  }
0x72: {  	_ =	shalt  }
0x73: {  	_ =	shalt  }
0x74: {  	_ =	shalt  }
0x75: {  	_ =	shalt  }
0x76: {  	_ =	shalt  }
0x77: {  	_ =	shalt  }
0x78: {  	_ =	shalt  }
0x79: {  	_ =	shalt  }
0x7a: {  	_ =	shalt  }
0x7b: {  	_ =	shalt  }
0x7c: {  	_ =	shalt  }
0x7d: {  	_ =	shalt  }
0x7e: {  	_ =	shalt  }
0x7f: {  	_ =	shalt  }
0x80: {  	_ =	shalt  }
0x81: {  	_ =	shalt  }
0x82: {  	_ =	shalt  }
0x83: {  	_ =	shalt  }
0x84: {  	_ =	shalt  }
0x85: {  	_ =	shalt  }
0x86: {  	_ =	shalt  }
0x87: {  	_ =	shalt  }
.Lfunc_end0:
.L_simem_size_0:
called_computation.1_lowered:
.L_overlay_start_0:
0x88: {  	s2 =	sld [smem:$0x3FD9]  }
0x89: {  	s3 =	sld [smem:$0x3FFE];
	_ =	sdelay $0x1  }
0x8a: {  	s1 =	srdreg.scid  }
0x8b: {  	s0 =	sand.u32 $0x1, s1  }
0x8c: {  	s17 =	sshll.u32 s0, $0xA;
	s2 =	sadd.s32 s3, s2  }
0x8d: {  	s2 =	sadd.s32 s2, s17  }
0x8e: {  	[smem:$0x3FC0] =	sst s2  }
0x8f: {  	_ = 	snop  }
0x90: {  	s2 =	sld [smem:$0x3FC3]  }
0x91: {  	s18 =	sld [smem:$0x3FC2];
	(tm) =	ssettm $0x1  }
0x92: {  	s4 =	sld [smem:$0x3FFB];
	_ =	sdelay $0x3  }
0x93: {  	_ =	strace s4  }
0x94: {  	s4 =	sld [smem:$0x3FFC];
	_ =	sdelay $0x3  }
0x95: {  	_ =	strace s4  }
0x96: {  	s4 =	sld [smem:$0x3FFD];
	_ =	sdelay $0x3  }
0x97: {  	_ =	strace s4  }
0x98: {  	_ =	strace $0x8FFFFFFF  }
0x99: {  	s19 =	sld [smem:$0x3FDB];
	_ =	sdelay $0x1  }
0x9a: {  	s5 =	simm.s32 $_scs_section_size  }
0x9b: {  	s6 =	simm.s32 $_size__tile_overlayer_lowered;
	s7 =	simm.s32 $_tile_overlayer_lowered  }
0x9c: {  	s22 =	simm.s32 $0x1BFF;
	s21 =	sshll.u32 s7, $0x1;
	s4 =	sadd.s32 s5, s19  }
0x9d: {  	s8 =	simm.s32 $0x0;
	s20 =	sshll.u32 s6, $0x1;
	s6 =	sadd.s32 s21, s4  }
0x9e: {  	[timem:s8], [sflag:s22] =	dma.local [hbm:s6], s20  }
0x9f: {  	_ =	swait.ge [sflag:s22], s20  }
0xa0: {  	s5 =	ssub.s32 $0x0, s20;
	[sflag:s22] =	ssyncset.done $0x0  }
0xa1: {  	[sflag:s22] =	ssyncadd.s32 s5;
	_ =	sdelay $0x1  }
0xa2: {  	s23 =	simm.s32 $0x1B8B  }
0xa3: {  	_ =	swait.ge [sflag:s23], $0x1  }
0xa4: {  	[sflag:s23] =	ssyncset.done $0x0  }
0xa5: {  	s25 =	simm.s32 $0x1B8E;
	s24 =	sld [smem:$0x3FFE];
	[sflag:s23] =	ssyncadd.s32 $0xFFFFFFFF  }
0xa6: {  	s26 =	simm.s32 $execute0_lowered;
	[smem:$0x3FD2] =	sst s25  }
0xa7: {  	s6 =	sshll.u32 s26, $0x1;
	_ =	strace $0x80000049;
	[dreg:$0x1] =	wrdreg $0xFFFFFFFF  }
0xa8: {  	s28 =	simm.s32 $_size_execute0_lowered;
	s4 =	sadd.s32 s4, s6;
	[dreg:$0x0] =	wrdreg $0x0  }
0xa9: {  	s6 =	sshll.u32 s28, $0x1;
	[dreg:$0x2] =	wrdreg s4  }
0xaa: {  	[dreg:$0x3] =	wrdreg s6  }
0xab: {  	[dreg:$0x4] =	wrdreg $0xC0  }
0xac: {  	_ =	task [dreg:s8], $0x5FFFF  }
0xad: {  	[dreg:$0x1] =	wrdreg $0xFFFFFFFF  }
0xae: {  	[dreg:$0x0] =	wrdreg $0x60  }
0xaf: {  	[dreg:$0x2] =	wrdreg s2  }
0xb0: {  	[dreg:$0x3] =	wrdreg s18  }
0xb1: {  	[dreg:$0x4] =	wrdreg s24  }
0xb2: {  	[dreg:$0x5] =	wrdreg $0x9  }
0xb3: {  	_ =	task.clear_ibuf [dreg:s8], $0x6FFFF;
	_ =	strace $0x90000049  }
0xb4: {  	s29 =	simm.s32 $0x9;
	_ =	strace $0x8000004B  }
0xb5: {  	_ =	swait.ge [sflag:s29], $0x1  }
0xb6: {  	[sflag:s29] =	ssyncadd.s32 $0xFFFFFFFF  }
0xb7: {  	_ =	strace $0x9000004B  }
0xb8: {  	_ =	sfence  }
0xb9: {  	s30 =	sld [smem:$0x0];
	_ =	sdelay $0x2  }
0xba: {  	s31 =	sshll.u32 s1, $0xD;
	s1 =	sshrl.u32 s1, $0x2  }
0xbb: {  	s3 =	sand.u32 $0x4000, s31;
	s1 =	sadd.s32 s1, s30  }
0xbc: {  	s0 =	sor.u32 s3, s0;
	s1 =	sshll.u32 s1, $0x11  }
0xbd: {  	s0 =	sor.u32 s1, s0  }
0xbe: {  	s0 =	sadd.s32 $0x8F2B, s0  }
0xbf: {  	[sflag:s0] =	ssyncadd.remote.s32 $0x1  }
0xc0: {  	_ =	sfence.sel $0xFFFF  }
0xc1: {  	[dreg:$0x0] =	wrdreg $0xFFFFFFFF;
	(pc) =	sbr.abs _section_cstart, $3  }
0xc2: {  	[dreg:$0x1] =	wrdreg $0xFFFFFFFF  }
0xc3: {  	_ =	task.clear_ibuf [dreg:s8], $0x2FFFF;
	_ =	strace $0x9FFFFFFF  }
0xc4: {  	(tm) =	ssettm $0x7FFFFFFF  }
0xc5: {  	_ =	shalt  }
tec
execute0_lowered:
.L_overlay_start_1:
0x0: {  	(tag) =	ssettag $0x1  }
0x1: {  	s1 =	rddreg [dreg:$0x0];
	s2 =	srdreg.scid  }
0x2: {  	s0 =	stileid.u32;
	s3 =	rddreg [dreg:$0x1]  }
0x3: {  	s6 =	rddreg [dreg:$0x2];
	s4 =	simm.s32 $0x0;
	s12 =	simm.s32 $0x80  }
0x4: {  	s13 =	simm.s32 $0x880;
	s14 =	simm.s32 $0x1080;
	s15 =	simm.s32 $0x1880  }
0x5: {  	s16 =	simm.s32 $0x2080;
	s17 =	simm.s32 $0x2880;
	s18 =	simm.s32 $0x3080  }
0x6: {  	s19 =	simm.s32 $0x3880;
	s5 =	sand.u32 $0x1, s2;
	s31 =	sshll.u32 s0, $0x1  }
0x7: {  	s20 =	simm.s32 $0x4080;
	s21 =	simm.s32 $0x4880;
	s7 =	sor.u32 s5, s31  }
0x8: {  	s22 =	simm.s32 $0x1;
	s5 =	ssub.s32 $0x2, s5;
	s8 =	smul.u32 $0x5, s7  }
0x9: {  	[smem:$0x7FF] =	sst s4;
	s7 =	smul.u32 $0xA00, s7;
	s9 =	sshrl.u32 s5, $0x1  }
0xa: {  	s2 =	rddreg [dreg:$0x3];
	_ =	strace $0x8000004A;
	s11 =	ssub.s32 s5, s9  }
0xb: {  	v2 =	vlaneseq.u32;
	s8 =	sadd.s32 s8, s6;
	s10 =	sadd.s32 s7, s6;
	s6 =	sadd.s32 $0x100, s1  }
0xc: {  	vm0 =	vmmov $0xffff;
	v1 =	vshrl.u32 v2, $0x3;
	s5 =	sadd.s32 $0xA00, s8;
	s7 =	sadd.s32 $0xC00, s10;
	s8 =	sadd.s32 $0x100, s3  }
0xd: {  	v0 =	vand.u32 $0x7, v2;
	v2 =	vor.u32 $0x8, v2;
	v1 =	vmul.u32 $0x8, v1;
	s9 =	sadd.s32 $0x14C00, s10;
	s10 =	smax.u32 s11, $0x1;
	s11 =	simm.s32 $0x2  }
.LBB2_1:
0xe: {  	[tilespmem:s4], [sflag:$0x2] =	stream.linear.gather [hbm4b:s5+s4], $0x28, $0x38;
	[tilespmem:$0x5080] =	vst v63  }
0xf: {  	_ =	swait.ge [sflag:s11], $0x28  }
0x10: {  	[sflag:s11] =	ssyncset.done $0x0  }
0x11: {  	[sflag:s11] =	ssyncadd.s32 $0xFFFFFFD8  }
0x12: {  	v3 =	vld [tilespmem:$0x0];
	_ =	sdelay $0x4  }
0x13: {  	v4 =	vshll.u32 v3, $0x2  }
0x14: {  	v3 =	vand.u32 $0x7, v3;
	v4 =	vand.u32 $0xFFFFFFE0, v4  }
0x15: {  	v3 =	vor.u32 v3, v4  }
0x16: {  	v4 =	vperm.xlane v3, v0;
	_ =	sdelay $0x1  }
0x17: {  	v4 =	vadd.s32 v1, v4;
	_ =	sdelay $0x1  }
0x18: {  	v3 =	vperm.xlane v3, v2;
	_ =	sdelay $0x1  }
0x19: {  	v3 =	vadd.s32 v1, v3  }
0x1a: {  	[tilespmem:s12], [sflag:$0x1] =	stream.indirect_vreg.gather [hbm4b:s1+s4], $0x80, v4, vm0, $0xb8;
	[tilespmem:$0x5080] =	vst v63  }
0x1b: {  	_ = 	snop  }
0x1c: {  	[tilespmem:s13], [sflag:$0x1] =	stream.indirect_vreg.gather [hbm4b:s6+s4], $0x80, v4, vm0, $0xb8;
	[tilespmem:$0x5080] =	vst v63  }
0x1d: {  	_ = 	snop  }
0x1e: {  	[tilespmem:s14], [sflag:$0x1] =	stream.indirect_vreg.gather [hbm4b:s1+s4], $0x80, v3, vm0, $0xb8;
	[tilespmem:$0x5080] =	vst v63  }
0x1f: {  	_ = 	snop  }
0x20: {  	[tilespmem:s15], [sflag:$0x1] =	stream.indirect_vreg.gather [hbm4b:s6+s4], $0x80, v3, vm0, $0xb8;
	[tilespmem:$0x5080] =	vst v63  }
0x21: {  	v3 =	vld [tilespmem:$0x10];
	_ =	sdelay $0x4  }
0x22: {  	v59 =	vshll.u32 v3, $0x2  }
0x23: {  	v3 =	vand.u32 $0x7, v3;
	v4 =	vand.u32 $0xFFFFFFE0, v59  }
0x24: {  	v3 =	vor.u32 v3, v4  }
0x25: {  	v4 =	vperm.xlane v3, v0;
	_ =	sdelay $0x1  }
0x26: {  	v4 =	vadd.s32 v1, v4;
	_ =	sdelay $0x1  }
0x27: {  	v3 =	vperm.xlane v3, v2;
	_ =	sdelay $0x1  }
0x28: {  	v3 =	vadd.s32 v1, v3  }
0x29: {  	[tilespmem:s16], [sflag:$0x1] =	stream.indirect_vreg.gather [hbm4b:s1+s4], $0x80, v4, vm0, $0xb8;
	[tilespmem:$0x5080] =	vst v63  }
0x2a: {  	_ = 	snop  }
0x2b: {  	[tilespmem:s17], [sflag:$0x1] =	stream.indirect_vreg.gather [hbm4b:s6+s4], $0x80, v4, vm0, $0xb8;
	[tilespmem:$0x5080] =	vst v63  }
0x2c: {  	_ = 	snop  }
0x2d: {  	[tilespmem:s18], [sflag:$0x1] =	stream.indirect_vreg.gather [hbm4b:s1+s4], $0x80, v3, vm0, $0xb8;
	[tilespmem:$0x5080] =	vst v63  }
0x2e: {  	_ = 	snop  }
0x2f: {  	[tilespmem:s19], [sflag:$0x1] =	stream.indirect_vreg.gather [hbm4b:s6+s4], $0x80, v3, vm0, $0xb8;
	[tilespmem:$0x5080] =	vst v63  }
0x30: {  	v3 =	vld.msk [tilespmem:$0x20], $0xff;
	_ =	sdelay $0x4  }
0x31: {  	v60 =	vshll.u32 v3, $0x2  }
0x32: {  	v3 =	vand.u32 $0x7, v3;
	v4 =	vand.u32 $0xFFFFFFE0, v60  }
0x33: {  	v3 =	vor.u32 v3, v4  }
0x34: {  	v3 =	vperm.xlane v3, v0;
	_ =	sdelay $0x1  }
0x35: {  	v3 =	vadd.s32 v1, v3;
	_ =	sdelay $0x4  }
0x36: {  	[tilespmem:s20], [sflag:$0x1] =	stream.indirect_vreg.gather [hbm4b:s1+s4], $0x80, v3, vm0, $0xb8;
	[tilespmem:$0x5080] =	vst v63  }
0x37: {  	_ = 	snop  }
0x38: {  	[tilespmem:s21], [sflag:$0x1] =	stream.indirect_vreg.gather [hbm4b:s6+s4], $0x80, v3, vm0, $0xb8;
	[tilespmem:$0x5080] =	vst v63  }
0x39: {  	_ =	swait.ge [sflag:s22], $0x5000  }
0x3a: {  	[sflag:s22] =	ssyncset.done $0x0  }
0x3b: {  	[sflag:s22] =	ssyncadd.s32 $0xFFFFB000  }
0x3c: {  	[hbm4b:s7+s4] =	stream.linear.scatter [tilespmem:s12], [sflag:$0x2], $0x5000, $0x38;
	[tilespmem:$0x5080] =	vst v63  }
0x3d: {  	_ =	swait.ge [sflag:s11], $0x5000  }
0x3e: {  	[sflag:s11] =	ssyncset.done $0x0  }
0x3f: {  	[sflag:s11] =	ssyncadd.s32 $0xFFFFB000  }
0x40: {  	v3 =	vld [tilespmem:$0x0];
	_ =	sdelay $0x4  }
0x41: {  	v61 =	vshll.u32 v3, $0x2  }
0x42: {  	v3 =	vand.u32 $0x7, v3;
	v4 =	vand.u32 $0xFFFFFFE0, v61  }
0x43: {  	v3 =	vor.u32 v3, v4  }
0x44: {  	v4 =	vperm.xlane v3, v0;
	_ =	sdelay $0x1  }
0x45: {  	v4 =	vadd.s32 v1, v4;
	_ =	sdelay $0x1  }
0x46: {  	v3 =	vperm.xlane v3, v2;
	_ =	sdelay $0x1  }
0x47: {  	v3 =	vadd.s32 v1, v3  }
0x48: {  	[tilespmem:s12], [sflag:$0x1] =	stream.indirect_vreg.gather [hbm4b:s3+s4], $0x80, v4, vm0, $0xb8;
	[tilespmem:$0x5080] =	vst v63  }
0x49: {  	_ = 	snop  }
0x4a: {  	[tilespmem:s13], [sflag:$0x1] =	stream.indirect_vreg.gather [hbm4b:s8+s4], $0x80, v4, vm0, $0xb8;
	[tilespmem:$0x5080] =	vst v63  }
0x4b: {  	_ = 	snop  }
0x4c: {  	[tilespmem:s14], [sflag:$0x1] =	stream.indirect_vreg.gather [hbm4b:s3+s4], $0x80, v3, vm0, $0xb8;
	[tilespmem:$0x5080] =	vst v63  }
0x4d: {  	_ = 	snop  }
0x4e: {  	[tilespmem:s15], [sflag:$0x1] =	stream.indirect_vreg.gather [hbm4b:s8+s4], $0x80, v3, vm0, $0xb8;
	[tilespmem:$0x5080] =	vst v63  }
0x4f: {  	v3 =	vld [tilespmem:$0x10];
	_ =	sdelay $0x4  }
0x50: {  	v62 =	vshll.u32 v3, $0x2  }
0x51: {  	v3 =	vand.u32 $0x7, v3;
	v4 =	vand.u32 $0xFFFFFFE0, v62  }
0x52: {  	v3 =	vor.u32 v3, v4  }
0x53: {  	v4 =	vperm.xlane v3, v0;
	_ =	sdelay $0x1  }
0x54: {  	v4 =	vadd.s32 v1, v4;
	_ =	sdelay $0x1  }
0x55: {  	v3 =	vperm.xlane v3, v2;
	_ =	sdelay $0x1  }
0x56: {  	v3 =	vadd.s32 v1, v3  }
0x57: {  	[tilespmem:s16], [sflag:$0x1] =	stream.indirect_vreg.gather [hbm4b:s3+s4], $0x80, v4, vm0, $0xb8;
	[tilespmem:$0x5080] =	vst v63  }
0x58: {  	_ = 	snop  }
0x59: {  	[tilespmem:s17], [sflag:$0x1] =	stream.indirect_vreg.gather [hbm4b:s8+s4], $0x80, v4, vm0, $0xb8;
	[tilespmem:$0x5080] =	vst v63  }
0x5a: {  	_ = 	snop  }
0x5b: {  	[tilespmem:s18], [sflag:$0x1] =	stream.indirect_vreg.gather [hbm4b:s3+s4], $0x80, v3, vm0, $0xb8;
	[tilespmem:$0x5080] =	vst v63  }
0x5c: {  	_ = 	snop  }
0x5d: {  	[tilespmem:s19], [sflag:$0x1] =	stream.indirect_vreg.gather [hbm4b:s8+s4], $0x80, v3, vm0, $0xb8;
	[tilespmem:$0x5080] =	vst v63  }
0x5e: {  	v3 =	vld.msk [tilespmem:$0x20], $0xff;
	_ =	sdelay $0x4  }
0x5f: {  	v63 =	vshll.u32 v3, $0x2  }
0x60: {  	v3 =	vand.u32 $0x7, v3;
	v4 =	vand.u32 $0xFFFFFFE0, v63  }
0x61: {  	v3 =	vor.u32 v3, v4  }
0x62: {  	v3 =	vperm.xlane v3, v0;
	_ =	sdelay $0x1  }
0x63: {  	v3 =	vadd.s32 v1, v3;
	_ =	sdelay $0x4  }
0x64: {  	[tilespmem:s20], [sflag:$0x1] =	stream.indirect_vreg.gather [hbm4b:s3+s4], $0x80, v3, vm0, $0xb8;
	[tilespmem:$0x5080] =	vst v63  }
0x65: {  	_ = 	snop  }
0x66: {  	[tilespmem:s21], [sflag:$0x1] =	stream.indirect_vreg.gather [hbm4b:s8+s4], $0x80, v3, vm0, $0xb8;
	[tilespmem:$0x5080] =	vst v63  }
0x67: {  	_ =	swait.ge [sflag:s22], $0x5000  }
0x68: {  	p0 =	sne.s32 s10, $0x1;
	[sflag:s22] =	ssyncset.done $0x0  }
.Ltmp0:
0x69: {  	[sflag:s22] =	ssyncadd.s32 $0xFFFFB000;
	(pc) =	sbr.rel @p0 .LBB2_1-.Ltmp0, $4  }
0x6a: {  	[hbm4b:s9+s4] =	stream.linear.scatter [tilespmem:s12], [sflag:$0x2], $0x5000, $0x38;
	[tilespmem:$0x5080] =	vst v63  }
0x6b: {  	_ =	swait.ge [sflag:s11], $0x5000  }
0x6c: {  	[sflag:s11] =	ssyncset.done $0x0  }
0x6d: {  	s10 =	sadd.s32 $0xFFFFFFFF, s10;
	[sflag:s11] =	ssyncadd.s32 $0xFFFFB000  }
0x6e: {  	_ =	sfence.sel $0x180000  }
0x6f: {  	[bflag:$0x0] =	sbarrier.arrive $0xFFFF  }
0x70: {  	p0 =	sne.s32 s0, $0x0;
	_ =	strace $0x9000004A  }
0x71: {  	s0 =	sadd.s32 @!p0 $0x100000, s2;
	[bflag:$0x2] =	sbarrier.arrive $0xFFFF  }
0x72: {  	[sflag:s0] =	ssyncadd.tile.s32 @!p0 $0x1;
	_ =	shalt  }
.Lfunc_end2:
_tile_overlayer_lowered:
.L_overlay_start_2:
0x73: {  	(tag) =	ssettag $0x2  }
0x74: {  	s0 =	rddreg [dreg:$0x0];
	s2 =	stileid.u32  }
0x75: {  	s1 =	rddreg [dreg:$0x1];
	p0 =	sne.s32 s2, $0x0  }
0x76: {  	s3 =	rddreg [dreg:$0x2];
	[bflag:$0x3] =	sbarrier.arrive $0xFFFF;
	s2 =	simm.s32 @!p0 $0x1C02  }
0x77: {  	[timem:s3], [sflag:s2] =	dma.local @!p0 [hbm:s0], s1  }
0x78: {  	s0 =	simm.s32 @!p0 $0x2  }
0x79: {  	_ =	swait.ge @!p0 [sflag:s0], s1  }
0x7a: {  	s1 =	ssub.s32 @!p0 $0x0, s1;
	[sflag:s0] =	ssyncset.done @!p0 $0x0  }
0x7b: {  	[sflag:s0] =	ssyncadd.s32 @!p0 s1  }
0x7c: {  	[bflag:$0x3] =	sbarrier.arrive $0xFFFF  }
0x7d: {  	_ =	shalt  }

</sc_bundles>
